<compile_context>
chip_gen: v7x
topology: tpu7x:2x2x1
jax: 0.10.2.dev20260603
libtpu: 0.0.44.dev20260713+nightly
codegen_flags: <defaults>
</compile_context>

<pallas_src>
import functools

import jax
import jax.numpy as jnp
from jax import lax
from jax.experimental import pallas as pl
from jax.experimental.pallas import tpu as pltpu
from jax.experimental.pallas import tpu_sc as plsc

_NUM_EMBEDDINGS = 8192
_DIM = 256
_COMMIT = 0.25

_ROWS = 32768
_RT = 256
_NT = 1024
_BIG = 2 ** 30
_W0, _W1 = 2736, 5472


def _argmin_body(xt_ref, a_ref, b_ref, e_ref, out_ref):
    xt = xt_ref[0]
    a_row = a_ref[0]
    run_min = [jnp.full((1, _RT), jnp.inf, jnp.float32) for _ in range(3)]
    run_idx = [jnp.full((1, _RT), _BIG, jnp.int32) for _ in range(3)]
    iota0 = lax.broadcasted_iota(jnp.int32, (_NT, _RT), 0)
    inf = jnp.float32(jnp.inf)
    for n in range(_NUM_EMBEDDINGS // _NT):
        lo = n * _NT
        e_blk = e_ref[lo:lo + _NT, :]
        s = lax.dot_general(e_blk, xt, (((1,), (0,)), ((), ())),
                            preferred_element_type=jnp.float32)
        d = (a_row + b_ref[lo:lo + _NT, 0:1]) - 2.0 * s
        gidx = iota0 + lo
        for w in range(3):
            wlo = (0, _W0, _W1)[w]
            whi = (_W0, _W1, _NUM_EMBEDDINGS)[w]
            if whi <= lo or wlo >= lo + _NT:
                continue
            if wlo <= lo and whi >= lo + _NT:
                dm = d
            else:
                mask = (gidx >= wlo) & (gidx < whi)
                dm = jnp.where(mask, d, inf)
            cmin = jnp.min(dm, axis=0, keepdims=True)
            cidx = jnp.min(jnp.where(dm == cmin, gidx, _BIG),
                           axis=0, keepdims=True)
            better = cmin < run_min[w]
            run_idx[w] = jnp.where(better, cidx, run_idx[w])
            run_min[w] = jnp.where(better, cmin, run_min[w])
    acc_v = run_min[0].astype(jnp.bfloat16).astype(jnp.float32)
    acc_i = run_idx[0]
    for w in (1, 2):
        upd = run_min[w] < acc_v
        acc_i = jnp.where(upd, run_idx[w], acc_i)
        if w < 2:
            acc_v = jnp.where(
                upd, run_min[w].astype(jnp.bfloat16).astype(jnp.float32),
                acc_v)
    out_ref[...] = acc_i[None]


def _combine_body(q_ref, xt_ref, out_ref, loss_ref):
    qt = jnp.transpose(q_ref[...])
    xt = xt_ref[0]
    diff = qt - xt
    out_ref[...] = (xt + diff)[None]
    @pl.when(pl.program_id(0) == 0)
    def _():
        loss_ref[0, 0] = jnp.float32(0.0)
    loss_ref[0, 0] += jnp.sum(diff * diff)


def _sc_gather(embedding, idx2d):
    mesh = plsc.VectorSubcoreMesh(core_axis_name="c", subcore_axis_name="s")

    @functools.partial(
        pl.kernel,
        mesh=mesh,
        out_type=jax.ShapeDtypeStruct((_ROWS, _DIM), jnp.float32),
        scratch_types=[
            pltpu.VMEM((8, 128), jnp.int32),
            pltpu.VMEM((128, _DIM), jnp.float32),
            pltpu.VMEM((128, _DIM), jnp.float32),
            pltpu.SemaphoreType.DMA,
            pltpu.SemaphoreType.DMA,
        ],
    )
    def k(table_hbm, idx_hbm, out_hbm, idx_v, buf0, buf1, sem0, sem1):
        wid = lax.axis_index("s") * 2 + lax.axis_index("c")
        base = wid * 1024
        pltpu.sync_copy(idx_hbm.at[pl.ds(wid * 8, 8)], idx_v)
        bufs = (buf0, buf1)
        sems = (sem0, sem1)
        copies = [None] * 8
        copies[0] = pltpu.async_copy(table_hbm.at[idx_v.at[0]], bufs[0],
                                     sems[0])
        for c in range(8):
            copies[c].wait()
            if c + 1 < 8:
                copies[c + 1] = pltpu.async_copy(
                    table_hbm.at[idx_v.at[c + 1]], bufs[(c + 1) % 2],
                    sems[(c + 1) % 2])
            pltpu.sync_copy(bufs[c % 2],
                            out_hbm.at[pl.ds(base + c * 128, 128)])

    return k(embedding, idx2d)


def kernel(inputs, embedding):
    bsz, ch, dd, hh, ww = inputs.shape
    sp = dd * hh * ww
    x3 = inputs.reshape(bsz, ch, sp)
    a3 = jnp.sum(jnp.transpose(inputs, (0, 2, 3, 4, 1)) ** 2,
                 axis=4).reshape(bsz, 1, sp)
    b = jnp.sum(embedding ** 2, axis=1)
    b_bc = jnp.broadcast_to(b[:, None], (_NUM_EMBEDDINGS, 128))

    grid_a = _ROWS // _RT
    tiles_pb = sp // _RT
    idx_t = pl.pallas_call(
        _argmin_body,
        grid=(grid_a,),
        in_specs=[
            pl.BlockSpec((1, _DIM, _RT), lambda r: (r // 32, 0, r % 32)),
            pl.BlockSpec((1, 1, _RT), lambda r: (r // 32, 0, r % 32)),
            pl.BlockSpec((_NUM_EMBEDDINGS, 128), lambda r: (0, 0)),
            pl.BlockSpec((_NUM_EMBEDDINGS, _DIM), lambda r: (0, 0)),
        ],
        out_specs=pl.BlockSpec((1, 1, _RT), lambda r: (r, 0, 0)),
        out_shape=jax.ShapeDtypeStruct((grid_a, 1, _RT), jnp.int32),
        compiler_params=pltpu.CompilerParams(
            dimension_semantics=("arbitrary",)),
    )(x3, a3, b_bc, embedding)
    idx = idx_t.reshape(_ROWS)

    q = _sc_gather(embedding, idx.reshape(256, 128))

    grid_c = _ROWS // 512
    out3, loss_sum = pl.pallas_call(
        _combine_body,
        grid=(grid_c,),
        in_specs=[
            pl.BlockSpec((512, _DIM), lambda r: (r, 0)),
            pl.BlockSpec((1, _DIM, 512), lambda r: (r // 16, 0, r % 16)),
        ],
        out_specs=[
            pl.BlockSpec((1, _DIM, 512), lambda r: (r // 16, 0, r % 16)),
            pl.BlockSpec(memory_space=pltpu.SMEM),
        ],
        out_shape=[
            jax.ShapeDtypeStruct((bsz, _DIM, sp), jnp.float32),
            jax.ShapeDtypeStruct((1, 1), jnp.float32),
        ],
        compiler_params=pltpu.CompilerParams(
            dimension_semantics=("arbitrary",)),
    )(q, x3)

    qd = out3.reshape(bsz, ch, dd, hh, ww)
    t = loss_sum[0, 0] / jnp.float32(_ROWS * _DIM)
    vq_loss = t + _COMMIT * t
    return (qd, vq_loss, idx)

# --- scband reference (transcript-rebuilt; emitter-appended) ---
"""Pipeline reference for scband-vector-quantizer-4329327034577 (READ-ONLY COPY).

The authoritative reference and input builder live on the scoring server;
editing this copy changes nothing except your own understanding.
"""

import jax, jax.numpy as jnp
import numpy as np

NUM_EMBEDDINGS = 8192
EMBEDDING_DIM = 256
COMMITMENT_COST = 0.25


def setup_inputs(seed: int = 0) -> dict:
    key = jax.random.key(seed)
    k1, k2 = jax.random.split(key)
    inputs = jax.random.normal(k1, (4, 256, 8, 32, 32), dtype=jnp.float32)
    embedding = jax.random.uniform(
        k2, (NUM_EMBEDDINGS, EMBEDDING_DIM),
        minval=-1.0 / NUM_EMBEDDINGS, maxval=1.0 / NUM_EMBEDDINGS,
        dtype=jnp.float32)
    return {"inputs": inputs, "embedding": embedding}


def reference(inputs, embedding):
    # inputs: [B, C, D, H, W] with C == embedding_dim
    x = jnp.transpose(inputs, (0, 2, 3, 4, 1))  # [B, D, H, W, C]
    input_shape = x.shape
    flat_input = x.reshape(-1, EMBEDDING_DIM)
    distances = (jnp.sum(flat_input ** 2, axis=1, keepdims=True)
                 + jnp.sum(embedding ** 2, axis=1)
                 - 2.0 * jnp.matmul(flat_input, embedding.T))
    encoding_indices = jnp.argmin(distances, axis=1)
    quantized = jnp.take(embedding, encoding_indices, axis=0).reshape(input_shape)
    vq_loss = (jnp.mean((jax.lax.stop_gradient(quantized) - x) ** 2)
               + COMMITMENT_COST * jnp.mean((quantized - jax.lax.stop_gradient(x)) ** 2))
    quantized_for_decoder = x + jax.lax.stop_gradient(quantized - x)
    quantized_for_decoder = jnp.transpose(quantized_for_decoder, (0, 4, 1, 2, 3))
    return (quantized_for_decoder, vq_loss, encoding_indices)

if __name__ == "__main__":
    import jax
    _d = setup_inputs()
    print(jax.jit(kernel)(*tuple(_d.values())))

</pallas_src>

<mosaic_0001>
#map = affine_map<(d0, d1) -> (0, 0)>
module attributes {stable_mosaic.version = 14 : i64} {
  func.func @k(%arg0: i32, %arg1: i32, %arg2: memref<8192x256xf32, #tpu.memory_space<hbm>>, %arg3: memref<256x128xi32, #tpu.memory_space<hbm>>, %arg4: memref<32768x256xf32, #tpu.memory_space<hbm>>, %arg5: memref<8x128xi32, #tpu.memory_space<vmem>>, %arg6: memref<128x256xf32, #tpu.memory_space<vmem>>, %arg7: memref<128x256xf32, #tpu.memory_space<vmem>>, %arg8: memref<!tpu.dma_semaphore, #tpu.memory_space<semaphore_mem>>, %arg9: memref<!tpu.dma_semaphore, #tpu.memory_space<semaphore_mem>>) attributes {dimension_semantics = [#tpu.dimension_semantics<core_parallel>, #tpu.dimension_semantics<subcore_parallel>], iteration_bounds = array<i64: 2, 16>, scalar_prefetch = 0 : i64, scratch_operands = 5 : i64, tpu.core_type = #tpu.core_type<sc_vector_subcore>, window_params = [{transform_indices = #map}, {transform_indices = #map}, {transform_indices = #map}]} {
    %mul3A = arith.constant 2 : i32
    %mul3A_0 = arith.muli %arg1, %mul3A : i32
    %add3A = arith.addi %mul3A_0, %arg0 : i32
    %mul3A_1 = arith.constant 1024 : i32
    %mul3A_2 = arith.muli %add3A, %mul3A_1 : i32
    %mul3A_3 = arith.constant 8 : i32
    %mul3A_4 = arith.muli %add3A, %mul3A_3 : i32
    "tpu.region"() ({
      %run_scoped3A = tpu.sem_alloc : memref<!tpu.dma_semaphore, #tpu.memory_space<semaphore_mem>>
      %dma_start3A_131 = arith.constant 0 : i32
      %dma_start3A_132 = tpu.memref_slice %arg3[%mul3A_4, %dma_start3A_131] : memref<256x128xi32, #tpu.memory_space<hbm>> -> memref<8x128xi32, #tpu.memory_space<hbm>>
      %dma_start3A_133 = arith.constant 0 : i32
      %dma_start3A_134 = tpu.memref_slice %arg3[%mul3A_4, %dma_start3A_133] : memref<256x128xi32, #tpu.memory_space<hbm>> -> memref<8x128xi32, #tpu.memory_space<hbm>>
      tpu.enqueue_dma source(%dma_start3A_134 : memref<8x128xi32, #tpu.memory_space<hbm>>) target(%arg5 : memref<8x128xi32, #tpu.memory_space<vmem>>) target_semaphore(%run_scoped3A : memref<!tpu.dma_semaphore, #tpu.memory_space<semaphore_mem>>)
      %dma_wait3A_135 = arith.constant 0 : i32
      %dma_wait3A_136 = tpu.memref_slice %arg3[%mul3A_4, %dma_wait3A_135] : memref<256x128xi32, #tpu.memory_space<hbm>> -> memref<8x128xi32, #tpu.memory_space<hbm>>
      %dma_wait3A_137 = arith.constant 0 : i32
      %dma_wait3A_138 = tpu.memref_slice %arg3[%mul3A_4, %dma_wait3A_137] : memref<256x128xi32, #tpu.memory_space<hbm>> -> memref<8x128xi32, #tpu.memory_space<hbm>>
      tpu.wait_dma2 semaphore(%run_scoped3A : memref<!tpu.dma_semaphore, #tpu.memory_space<semaphore_mem>>) src(%dma_wait3A_138 : memref<8x128xi32, #tpu.memory_space<hbm>>) dst(%arg5 : memref<8x128xi32, #tpu.memory_space<vmem>>)
      tpu.yield
    }) : () -> ()
    %dma_start3A = arith.constant 0 : i32
    %dma_start3A_5 = arith.constant 0 : i32
    %dma_start3A_6 = tpu.memref_slice %arg5[%dma_start3A, %dma_start3A_5] : memref<8x128xi32, #tpu.memory_space<vmem>> -> memref<1x128xi32, #tpu.memory_space<vmem>>
    %dma_start3A_7 = tpu.memref_squeeze %dma_start3A_6 : memref<1x128xi32, #tpu.memory_space<vmem>> -> memref<128xi32, #tpu.memory_space<vmem>>
    %dma_start3A_8 = arith.constant 0 : i32
    %dma_start3A_9 = arith.constant 0 : i32
    %dma_start3A_10 = tpu.memref_slice %arg2[%dma_start3A_8, %dma_start3A_9] : memref<8192x256xf32, #tpu.memory_space<hbm>> -> memref<8192x256xf32, #tpu.memory_space<hbm>>
    tpu.enqueue_indirect_dma source(%dma_start3A_10 : memref<8192x256xf32, #tpu.memory_space<hbm>>) target(%arg6 : memref<128x256xf32, #tpu.memory_space<vmem>>) offsets(%dma_start3A_7 : memref<128xi32, #tpu.memory_space<vmem>>) semaphore(%arg8 : memref<!tpu.dma_semaphore, #tpu.memory_space<semaphore_mem>>)
    %dma_wait3A = arith.constant 0 : i32
    %dma_wait3A_11 = arith.constant 0 : i32
    %dma_wait3A_12 = tpu.memref_slice %arg5[%dma_wait3A, %dma_wait3A_11] : memref<8x128xi32, #tpu.memory_space<vmem>> -> memref<1x128xi32, #tpu.memory_space<vmem>>
    %dma_wait3A_13 = tpu.memref_squeeze %dma_wait3A_12 : memref<1x128xi32, #tpu.memory_space<vmem>> -> memref<128xi32, #tpu.memory_space<vmem>>
    %dma_wait3A_14 = arith.constant 0 : i32
    %dma_wait3A_15 = arith.constant 0 : i32
    %dma_wait3A_16 = tpu.memref_slice %arg2[%dma_wait3A_14, %dma_wait3A_15] : memref<8192x256xf32, #tpu.memory_space<hbm>> -> memref<8192x256xf32, #tpu.memory_space<hbm>>
    tpu.wait_indirect_dma semaphore(%arg8 : memref<!tpu.dma_semaphore, #tpu.memory_space<semaphore_mem>>) src(%dma_wait3A_16 : memref<8192x256xf32, #tpu.memory_space<hbm>>) dst(%arg6 : memref<128x256xf32, #tpu.memory_space<vmem>>)
    %dma_start3A_17 = arith.constant 1 : i32
    %dma_start3A_18 = arith.constant 0 : i32
    %dma_start3A_19 = tpu.memref_slice %arg5[%dma_start3A_17, %dma_start3A_18] : memref<8x128xi32, #tpu.memory_space<vmem>> -> memref<1x128xi32, #tpu.memory_space<vmem>>
    %dma_start3A_20 = tpu.memref_squeeze %dma_start3A_19 : memref<1x128xi32, #tpu.memory_space<vmem>> -> memref<128xi32, #tpu.memory_space<vmem>>
    %dma_start3A_21 = arith.constant 0 : i32
    %dma_start3A_22 = arith.constant 0 : i32
    %dma_start3A_23 = tpu.memref_slice %arg2[%dma_start3A_21, %dma_start3A_22] : memref<8192x256xf32, #tpu.memory_space<hbm>> -> memref<8192x256xf32, #tpu.memory_space<hbm>>
    tpu.enqueue_indirect_dma source(%dma_start3A_23 : memref<8192x256xf32, #tpu.memory_space<hbm>>) target(%arg7 : memref<128x256xf32, #tpu.memory_space<vmem>>) offsets(%dma_start3A_20 : memref<128xi32, #tpu.memory_space<vmem>>) semaphore(%arg9 : memref<!tpu.dma_semaphore, #tpu.memory_space<semaphore_mem>>)
    %add3A_24 = arith.constant 0 : i32
    %add3A_25 = arith.addi %mul3A_2, %add3A_24 : i32
    "tpu.region"() ({
      %run_scoped3A = tpu.sem_alloc : memref<!tpu.dma_semaphore, #tpu.memory_space<semaphore_mem>>
      %dma_start3A_131 = arith.constant 0 : i32
      %dma_start3A_132 = tpu.memref_slice %arg4[%add3A_25, %dma_start3A_131] : memref<32768x256xf32, #tpu.memory_space<hbm>> -> memref<128x256xf32, #tpu.memory_space<hbm>>
      %dma_start3A_133 = arith.constant 0 : i32
      %dma_start3A_134 = tpu.memref_slice %arg4[%add3A_25, %dma_start3A_133] : memref<32768x256xf32, #tpu.memory_space<hbm>> -> memref<128x256xf32, #tpu.memory_space<hbm>>
      tpu.enqueue_dma source(%arg6 : memref<128x256xf32, #tpu.memory_space<vmem>>) target(%dma_start3A_134 : memref<128x256xf32, #tpu.memory_space<hbm>>) target_semaphore(%run_scoped3A : memref<!tpu.dma_semaphore, #tpu.memory_space<semaphore_mem>>)
      %dma_wait3A_135 = arith.constant 0 : i32
      %dma_wait3A_136 = tpu.memref_slice %arg4[%add3A_25, %dma_wait3A_135] : memref<32768x256xf32, #tpu.memory_space<hbm>> -> memref<128x256xf32, #tpu.memory_space<hbm>>
      %dma_wait3A_137 = arith.constant 0 : i32
      %dma_wait3A_138 = tpu.memref_slice %arg4[%add3A_25, %dma_wait3A_137] : memref<32768x256xf32, #tpu.memory_space<hbm>> -> memref<128x256xf32, #tpu.memory_space<hbm>>
      tpu.wait_dma2 semaphore(%run_scoped3A : memref<!tpu.dma_semaphore, #tpu.memory_space<semaphore_mem>>) src(%arg6 : memref<128x256xf32, #tpu.memory_space<vmem>>) dst(%dma_wait3A_138 : memref<128x256xf32, #tpu.memory_space<hbm>>)
      tpu.yield
    }) : () -> ()
    %dma_wait3A_26 = arith.constant 1 : i32
    %dma_wait3A_27 = arith.constant 0 : i32
    %dma_wait3A_28 = tpu.memref_slice %arg5[%dma_wait3A_26, %dma_wait3A_27] : memref<8x128xi32, #tpu.memory_space<vmem>> -> memref<1x128xi32, #tpu.memory_space<vmem>>
    %dma_wait3A_29 = tpu.memref_squeeze %dma_wait3A_28 : memref<1x128xi32, #tpu.memory_space<vmem>> -> memref<128xi32, #tpu.memory_space<vmem>>
    %dma_wait3A_30 = arith.constant 0 : i32
    %dma_wait3A_31 = arith.constant 0 : i32
    %dma_wait3A_32 = tpu.memref_slice %arg2[%dma_wait3A_30, %dma_wait3A_31] : memref<8192x256xf32, #tpu.memory_space<hbm>> -> memref<8192x256xf32, #tpu.memory_space<hbm>>
    tpu.wait_indirect_dma semaphore(%arg9 : memref<!tpu.dma_semaphore, #tpu.memory_space<semaphore_mem>>) src(%dma_wait3A_32 : memref<8192x256xf32, #tpu.memory_space<hbm>>) dst(%arg7 : memref<128x256xf32, #tpu.memory_space<vmem>>)
    %dma_start3A_33 = arith.constant 2 : i32
    %dma_start3A_34 = arith.constant 0 : i32
    %dma_start3A_35 = tpu.memref_slice %arg5[%dma_start3A_33, %dma_start3A_34] : memref<8x128xi32, #tpu.memory_space<vmem>> -> memref<1x128xi32, #tpu.memory_space<vmem>>
    %dma_start3A_36 = tpu.memref_squeeze %dma_start3A_35 : memref<1x128xi32, #tpu.memory_space<vmem>> -> memref<128xi32, #tpu.memory_space<vmem>>
    %dma_start3A_37 = arith.constant 0 : i32
    %dma_start3A_38 = arith.constant 0 : i32
    %dma_start3A_39 = tpu.memref_slice %arg2[%dma_start3A_37, %dma_start3A_38] : memref<8192x256xf32, #tpu.memory_space<hbm>> -> memref<8192x256xf32, #tpu.memory_space<hbm>>
    tpu.enqueue_indirect_dma source(%dma_start3A_39 : memref<8192x256xf32, #tpu.memory_space<hbm>>) target(%arg6 : memref<128x256xf32, #tpu.memory_space<vmem>>) offsets(%dma_start3A_36 : memref<128xi32, #tpu.memory_space<vmem>>) semaphore(%arg8 : memref<!tpu.dma_semaphore, #tpu.memory_space<semaphore_mem>>)
    %add3A_40 = arith.constant 128 : i32
    %add3A_41 = arith.addi %mul3A_2, %add3A_40 : i32
    "tpu.region"() ({
      %run_scoped3A = tpu.sem_alloc : memref<!tpu.dma_semaphore, #tpu.memory_space<semaphore_mem>>
      %dma_start3A_131 = arith.constant 0 : i32
      %dma_start3A_132 = tpu.memref_slice %arg4[%add3A_41, %dma_start3A_131] : memref<32768x256xf32, #tpu.memory_space<hbm>> -> memref<128x256xf32, #tpu.memory_space<hbm>>
      %dma_start3A_133 = arith.constant 0 : i32
      %dma_start3A_134 = tpu.memref_slice %arg4[%add3A_41, %dma_start3A_133] : memref<32768x256xf32, #tpu.memory_space<hbm>> -> memref<128x256xf32, #tpu.memory_space<hbm>>
      tpu.enqueue_dma source(%arg7 : memref<128x256xf32, #tpu.memory_space<vmem>>) target(%dma_start3A_134 : memref<128x256xf32, #tpu.memory_space<hbm>>) target_semaphore(%run_scoped3A : memref<!tpu.dma_semaphore, #tpu.memory_space<semaphore_mem>>)
      %dma_wait3A_135 = arith.constant 0 : i32
      %dma_wait3A_136 = tpu.memref_slice %arg4[%add3A_41, %dma_wait3A_135] : memref<32768x256xf32, #tpu.memory_space<hbm>> -> memref<128x256xf32, #tpu.memory_space<hbm>>
      %dma_wait3A_137 = arith.constant 0 : i32
      %dma_wait3A_138 = tpu.memref_slice %arg4[%add3A_41, %dma_wait3A_137] : memref<32768x256xf32, #tpu.memory_space<hbm>> -> memref<128x256xf32, #tpu.memory_space<hbm>>
      tpu.wait_dma2 semaphore(%run_scoped3A : memref<!tpu.dma_semaphore, #tpu.memory_space<semaphore_mem>>) src(%arg7 : memref<128x256xf32, #tpu.memory_space<vmem>>) dst(%dma_wait3A_138 : memref<128x256xf32, #tpu.memory_space<hbm>>)
      tpu.yield
    }) : () -> ()
    %dma_wait3A_42 = arith.constant 2 : i32
    %dma_wait3A_43 = arith.constant 0 : i32
    %dma_wait3A_44 = tpu.memref_slice %arg5[%dma_wait3A_42, %dma_wait3A_43] : memref<8x128xi32, #tpu.memory_space<vmem>> -> memref<1x128xi32, #tpu.memory_space<vmem>>
    %dma_wait3A_45 = tpu.memref_squeeze %dma_wait3A_44 : memref<1x128xi32, #tpu.memory_space<vmem>> -> memref<128xi32, #tpu.memory_space<vmem>>
    %dma_wait3A_46 = arith.constant 0 : i32
    %dma_wait3A_47 = arith.constant 0 : i32
    %dma_wait3A_48 = tpu.memref_slice %arg2[%dma_wait3A_46, %dma_wait3A_47] : memref<8192x256xf32, #tpu.memory_space<hbm>> -> memref<8192x256xf32, #tpu.memory_space<hbm>>
    tpu.wait_indirect_dma semaphore(%arg8 : memref<!tpu.dma_semaphore, #tpu.memory_space<semaphore_mem>>) src(%dma_wait3A_48 : memref<8192x256xf32, #tpu.memory_space<hbm>>) dst(%arg6 : memref<128x256xf32, #tpu.memory_space<vmem>>)
    %dma_start3A_49 = arith.constant 3 : i32
    %dma_start3A_50 = arith.constant 0 : i32
    %dma_start3A_51 = tpu.memref_slice %arg5[%dma_start3A_49, %dma_start3A_50] : memref<8x128xi32, #tpu.memory_space<vmem>> -> memref<1x128xi32, #tpu.memory_space<vmem>>
    %dma_start3A_52 = tpu.memref_squeeze %dma_start3A_51 : memref<1x128xi32, #tpu.memory_space<vmem>> -> memref<128xi32, #tpu.memory_space<vmem>>
    %dma_start3A_53 = arith.constant 0 : i32
    %dma_start3A_54 = arith.constant 0 : i32
    %dma_start3A_55 = tpu.memref_slice %arg2[%dma_start3A_53, %dma_start3A_54] : memref<8192x256xf32, #tpu.memory_space<hbm>> -> memref<8192x256xf32, #tpu.memory_space<hbm>>
    tpu.enqueue_indirect_dma source(%dma_start3A_55 : memref<8192x256xf32, #tpu.memory_space<hbm>>) target(%arg7 : memref<128x256xf32, #tpu.memory_space<vmem>>) offsets(%dma_start3A_52 : memref<128xi32, #tpu.memory_space<vmem>>) semaphore(%arg9 : memref<!tpu.dma_semaphore, #tpu.memory_space<semaphore_mem>>)
    %add3A_56 = arith.constant 256 : i32
    %add3A_57 = arith.addi %mul3A_2, %add3A_56 : i32
    "tpu.region"() ({
      %run_scoped3A = tpu.sem_alloc : memref<!tpu.dma_semaphore, #tpu.memory_space<semaphore_mem>>
      %dma_start3A_131 = arith.constant 0 : i32
      %dma_start3A_132 = tpu.memref_slice %arg4[%add3A_57, %dma_start3A_131] : memref<32768x256xf32, #tpu.memory_space<hbm>> -> memref<128x256xf32, #tpu.memory_space<hbm>>
      %dma_start3A_133 = arith.constant 0 : i32
      %dma_start3A_134 = tpu.memref_slice %arg4[%add3A_57, %dma_start3A_133] : memref<32768x256xf32, #tpu.memory_space<hbm>> -> memref<128x256xf32, #tpu.memory_space<hbm>>
      tpu.enqueue_dma source(%arg6 : memref<128x256xf32, #tpu.memory_space<vmem>>) target(%dma_start3A_134 : memref<128x256xf32, #tpu.memory_space<hbm>>) target_semaphore(%run_scoped3A : memref<!tpu.dma_semaphore, #tpu.memory_space<semaphore_mem>>)
      %dma_wait3A_135 = arith.constant 0 : i32
      %dma_wait3A_136 = tpu.memref_slice %arg4[%add3A_57, %dma_wait3A_135] : memref<32768x256xf32, #tpu.memory_space<hbm>> -> memref<128x256xf32, #tpu.memory_space<hbm>>
      %dma_wait3A_137 = arith.constant 0 : i32
      %dma_wait3A_138 = tpu.memref_slice %arg4[%add3A_57, %dma_wait3A_137] : memref<32768x256xf32, #tpu.memory_space<hbm>> -> memref<128x256xf32, #tpu.memory_space<hbm>>
      tpu.wait_dma2 semaphore(%run_scoped3A : memref<!tpu.dma_semaphore, #tpu.memory_space<semaphore_mem>>) src(%arg6 : memref<128x256xf32, #tpu.memory_space<vmem>>) dst(%dma_wait3A_138 : memref<128x256xf32, #tpu.memory_space<hbm>>)
      tpu.yield
    }) : () -> ()
    %dma_wait3A_58 = arith.constant 3 : i32
    %dma_wait3A_59 = arith.constant 0 : i32
    %dma_wait3A_60 = tpu.memref_slice %arg5[%dma_wait3A_58, %dma_wait3A_59] : memref<8x128xi32, #tpu.memory_space<vmem>> -> memref<1x128xi32, #tpu.memory_space<vmem>>
    %dma_wait3A_61 = tpu.memref_squeeze %dma_wait3A_60 : memref<1x128xi32, #tpu.memory_space<vmem>> -> memref<128xi32, #tpu.memory_space<vmem>>
    %dma_wait3A_62 = arith.constant 0 : i32
    %dma_wait3A_63 = arith.constant 0 : i32
    %dma_wait3A_64 = tpu.memref_slice %arg2[%dma_wait3A_62, %dma_wait3A_63] : memref<8192x256xf32, #tpu.memory_space<hbm>> -> memref<8192x256xf32, #tpu.memory_space<hbm>>
    tpu.wait_indirect_dma semaphore(%arg9 : memref<!tpu.dma_semaphore, #tpu.memory_space<semaphore_mem>>) src(%dma_wait3A_64 : memref<8192x256xf32, #tpu.memory_space<hbm>>) dst(%arg7 : memref<128x256xf32, #tpu.memory_space<vmem>>)
    %dma_start3A_65 = arith.constant 4 : i32
    %dma_start3A_66 = arith.constant 0 : i32
    %dma_start3A_67 = tpu.memref_slice %arg5[%dma_start3A_65, %dma_start3A_66] : memref<8x128xi32, #tpu.memory_space<vmem>> -> memref<1x128xi32, #tpu.memory_space<vmem>>
    %dma_start3A_68 = tpu.memref_squeeze %dma_start3A_67 : memref<1x128xi32, #tpu.memory_space<vmem>> -> memref<128xi32, #tpu.memory_space<vmem>>
    %dma_start3A_69 = arith.constant 0 : i32
    %dma_start3A_70 = arith.constant 0 : i32
    %dma_start3A_71 = tpu.memref_slice %arg2[%dma_start3A_69, %dma_start3A_70] : memref<8192x256xf32, #tpu.memory_space<hbm>> -> memref<8192x256xf32, #tpu.memory_space<hbm>>
    tpu.enqueue_indirect_dma source(%dma_start3A_71 : memref<8192x256xf32, #tpu.memory_space<hbm>>) target(%arg6 : memref<128x256xf32, #tpu.memory_space<vmem>>) offsets(%dma_start3A_68 : memref<128xi32, #tpu.memory_space<vmem>>) semaphore(%arg8 : memref<!tpu.dma_semaphore, #tpu.memory_space<semaphore_mem>>)
    %add3A_72 = arith.constant 384 : i32
    %add3A_73 = arith.addi %mul3A_2, %add3A_72 : i32
    "tpu.region"() ({
      %run_scoped3A = tpu.sem_alloc : memref<!tpu.dma_semaphore, #tpu.memory_space<semaphore_mem>>
      %dma_start3A_131 = arith.constant 0 : i32
      %dma_start3A_132 = tpu.memref_slice %arg4[%add3A_73, %dma_start3A_131] : memref<32768x256xf32, #tpu.memory_space<hbm>> -> memref<128x256xf32, #tpu.memory_space<hbm>>
      %dma_start3A_133 = arith.constant 0 : i32
      %dma_start3A_134 = tpu.memref_slice %arg4[%add3A_73, %dma_start3A_133] : memref<32768x256xf32, #tpu.memory_space<hbm>> -> memref<128x256xf32, #tpu.memory_space<hbm>>
      tpu.enqueue_dma source(%arg7 : memref<128x256xf32, #tpu.memory_space<vmem>>) target(%dma_start3A_134 : memref<128x256xf32, #tpu.memory_space<hbm>>) target_semaphore(%run_scoped3A : memref<!tpu.dma_semaphore, #tpu.memory_space<semaphore_mem>>)
      %dma_wait3A_135 = arith.constant 0 : i32
      %dma_wait3A_136 = tpu.memref_slice %arg4[%add3A_73, %dma_wait3A_135] : memref<32768x256xf32, #tpu.memory_space<hbm>> -> memref<128x256xf32, #tpu.memory_space<hbm>>
      %dma_wait3A_137 = arith.constant 0 : i32
      %dma_wait3A_138 = tpu.memref_slice %arg4[%add3A_73, %dma_wait3A_137] : memref<32768x256xf32, #tpu.memory_space<hbm>> -> memref<128x256xf32, #tpu.memory_space<hbm>>
      tpu.wait_dma2 semaphore(%run_scoped3A : memref<!tpu.dma_semaphore, #tpu.memory_space<semaphore_mem>>) src(%arg7 : memref<128x256xf32, #tpu.memory_space<vmem>>) dst(%dma_wait3A_138 : memref<128x256xf32, #tpu.memory_space<hbm>>)
      tpu.yield
    }) : () -> ()
    %dma_wait3A_74 = arith.constant 4 : i32
    %dma_wait3A_75 = arith.constant 0 : i32
    %dma_wait3A_76 = tpu.memref_slice %arg5[%dma_wait3A_74, %dma_wait3A_75] : memref<8x128xi32, #tpu.memory_space<vmem>> -> memref<1x128xi32, #tpu.memory_space<vmem>>
    %dma_wait3A_77 = tpu.memref_squeeze %dma_wait3A_76 : memref<1x128xi32, #tpu.memory_space<vmem>> -> memref<128xi32, #tpu.memory_space<vmem>>
    %dma_wait3A_78 = arith.constant 0 : i32
    %dma_wait3A_79 = arith.constant 0 : i32
    %dma_wait3A_80 = tpu.memref_slice %arg2[%dma_wait3A_78, %dma_wait3A_79] : memref<8192x256xf32, #tpu.memory_space<hbm>> -> memref<8192x256xf32, #tpu.memory_space<hbm>>
    tpu.wait_indirect_dma semaphore(%arg8 : memref<!tpu.dma_semaphore, #tpu.memory_space<semaphore_mem>>) src(%dma_wait3A_80 : memref<8192x256xf32, #tpu.memory_space<hbm>>) dst(%arg6 : memref<128x256xf32, #tpu.memory_space<vmem>>)
    %dma_start3A_81 = arith.constant 5 : i32
    %dma_start3A_82 = arith.constant 0 : i32
    %dma_start3A_83 = tpu.memref_slice %arg5[%dma_start3A_81, %dma_start3A_82] : memref<8x128xi32, #tpu.memory_space<vmem>> -> memref<1x128xi32, #tpu.memory_space<vmem>>
    %dma_start3A_84 = tpu.memref_squeeze %dma_start3A_83 : memref<1x128xi32, #tpu.memory_space<vmem>> -> memref<128xi32, #tpu.memory_space<vmem>>
    %dma_start3A_85 = arith.constant 0 : i32
    %dma_start3A_86 = arith.constant 0 : i32
    %dma_start3A_87 = tpu.memref_slice %arg2[%dma_start3A_85, %dma_start3A_86] : memref<8192x256xf32, #tpu.memory_space<hbm>> -> memref<8192x256xf32, #tpu.memory_space<hbm>>
    tpu.enqueue_indirect_dma source(%dma_start3A_87 : memref<8192x256xf32, #tpu.memory_space<hbm>>) target(%arg7 : memref<128x256xf32, #tpu.memory_space<vmem>>) offsets(%dma_start3A_84 : memref<128xi32, #tpu.memory_space<vmem>>) semaphore(%arg9 : memref<!tpu.dma_semaphore, #tpu.memory_space<semaphore_mem>>)
    %add3A_88 = arith.constant 512 : i32
    %add3A_89 = arith.addi %mul3A_2, %add3A_88 : i32
    "tpu.region"() ({
      %run_scoped3A = tpu.sem_alloc : memref<!tpu.dma_semaphore, #tpu.memory_space<semaphore_mem>>
      %dma_start3A_131 = arith.constant 0 : i32
      %dma_start3A_132 = tpu.memref_slice %arg4[%add3A_89, %dma_start3A_131] : memref<32768x256xf32, #tpu.memory_space<hbm>> -> memref<128x256xf32, #tpu.memory_space<hbm>>
      %dma_start3A_133 = arith.constant 0 : i32
      %dma_start3A_134 = tpu.memref_slice %arg4[%add3A_89, %dma_start3A_133] : memref<32768x256xf32, #tpu.memory_space<hbm>> -> memref<128x256xf32, #tpu.memory_space<hbm>>
      tpu.enqueue_dma source(%arg6 : memref<128x256xf32, #tpu.memory_space<vmem>>) target(%dma_start3A_134 : memref<128x256xf32, #tpu.memory_space<hbm>>) target_semaphore(%run_scoped3A : memref<!tpu.dma_semaphore, #tpu.memory_space<semaphore_mem>>)
      %dma_wait3A_135 = arith.constant 0 : i32
      %dma_wait3A_136 = tpu.memref_slice %arg4[%add3A_89, %dma_wait3A_135] : memref<32768x256xf32, #tpu.memory_space<hbm>> -> memref<128x256xf32, #tpu.memory_space<hbm>>
      %dma_wait3A_137 = arith.constant 0 : i32
      %dma_wait3A_138 = tpu.memref_slice %arg4[%add3A_89, %dma_wait3A_137] : memref<32768x256xf32, #tpu.memory_space<hbm>> -> memref<128x256xf32, #tpu.memory_space<hbm>>
      tpu.wait_dma2 semaphore(%run_scoped3A : memref<!tpu.dma_semaphore, #tpu.memory_space<semaphore_mem>>) src(%arg6 : memref<128x256xf32, #tpu.memory_space<vmem>>) dst(%dma_wait3A_138 : memref<128x256xf32, #tpu.memory_space<hbm>>)
      tpu.yield
    }) : () -> ()
    %dma_wait3A_90 = arith.constant 5 : i32
    %dma_wait3A_91 = arith.constant 0 : i32
    %dma_wait3A_92 = tpu.memref_slice %arg5[%dma_wait3A_90, %dma_wait3A_91] : memref<8x128xi32, #tpu.memory_space<vmem>> -> memref<1x128xi32, #tpu.memory_space<vmem>>
    %dma_wait3A_93 = tpu.memref_squeeze %dma_wait3A_92 : memref<1x128xi32, #tpu.memory_space<vmem>> -> memref<128xi32, #tpu.memory_space<vmem>>
    %dma_wait3A_94 = arith.constant 0 : i32
    %dma_wait3A_95 = arith.constant 0 : i32
    %dma_wait3A_96 = tpu.memref_slice %arg2[%dma_wait3A_94, %dma_wait3A_95] : memref<8192x256xf32, #tpu.memory_space<hbm>> -> memref<8192x256xf32, #tpu.memory_space<hbm>>
    tpu.wait_indirect_dma semaphore(%arg9 : memref<!tpu.dma_semaphore, #tpu.memory_space<semaphore_mem>>) src(%dma_wait3A_96 : memref<8192x256xf32, #tpu.memory_space<hbm>>) dst(%arg7 : memref<128x256xf32, #tpu.memory_space<vmem>>)
    %dma_start3A_97 = arith.constant 6 : i32
    %dma_start3A_98 = arith.constant 0 : i32
    %dma_start3A_99 = tpu.memref_slice %arg5[%dma_start3A_97, %dma_start3A_98] : memref<8x128xi32, #tpu.memory_space<vmem>> -> memref<1x128xi32, #tpu.memory_space<vmem>>
    %dma_start3A_100 = tpu.memref_squeeze %dma_start3A_99 : memref<1x128xi32, #tpu.memory_space<vmem>> -> memref<128xi32, #tpu.memory_space<vmem>>
    %dma_start3A_101 = arith.constant 0 : i32
    %dma_start3A_102 = arith.constant 0 : i32
    %dma_start3A_103 = tpu.memref_slice %arg2[%dma_start3A_101, %dma_start3A_102] : memref<8192x256xf32, #tpu.memory_space<hbm>> -> memref<8192x256xf32, #tpu.memory_space<hbm>>
    tpu.enqueue_indirect_dma source(%dma_start3A_103 : memref<8192x256xf32, #tpu.memory_space<hbm>>) target(%arg6 : memref<128x256xf32, #tpu.memory_space<vmem>>) offsets(%dma_start3A_100 : memref<128xi32, #tpu.memory_space<vmem>>) semaphore(%arg8 : memref<!tpu.dma_semaphore, #tpu.memory_space<semaphore_mem>>)
    %add3A_104 = arith.constant 640 : i32
    %add3A_105 = arith.addi %mul3A_2, %add3A_104 : i32
    "tpu.region"() ({
      %run_scoped3A = tpu.sem_alloc : memref<!tpu.dma_semaphore, #tpu.memory_space<semaphore_mem>>
      %dma_start3A_131 = arith.constant 0 : i32
      %dma_start3A_132 = tpu.memref_slice %arg4[%add3A_105, %dma_start3A_131] : memref<32768x256xf32, #tpu.memory_space<hbm>> -> memref<128x256xf32, #tpu.memory_space<hbm>>
      %dma_start3A_133 = arith.constant 0 : i32
      %dma_start3A_134 = tpu.memref_slice %arg4[%add3A_105, %dma_start3A_133] : memref<32768x256xf32, #tpu.memory_space<hbm>> -> memref<128x256xf32, #tpu.memory_space<hbm>>
      tpu.enqueue_dma source(%arg7 : memref<128x256xf32, #tpu.memory_space<vmem>>) target(%dma_start3A_134 : memref<128x256xf32, #tpu.memory_space<hbm>>) target_semaphore(%run_scoped3A : memref<!tpu.dma_semaphore, #tpu.memory_space<semaphore_mem>>)
      %dma_wait3A_135 = arith.constant 0 : i32
      %dma_wait3A_136 = tpu.memref_slice %arg4[%add3A_105, %dma_wait3A_135] : memref<32768x256xf32, #tpu.memory_space<hbm>> -> memref<128x256xf32, #tpu.memory_space<hbm>>
      %dma_wait3A_137 = arith.constant 0 : i32
      %dma_wait3A_138 = tpu.memref_slice %arg4[%add3A_105, %dma_wait3A_137] : memref<32768x256xf32, #tpu.memory_space<hbm>> -> memref<128x256xf32, #tpu.memory_space<hbm>>
      tpu.wait_dma2 semaphore(%run_scoped3A : memref<!tpu.dma_semaphore, #tpu.memory_space<semaphore_mem>>) src(%arg7 : memref<128x256xf32, #tpu.memory_space<vmem>>) dst(%dma_wait3A_138 : memref<128x256xf32, #tpu.memory_space<hbm>>)
      tpu.yield
    }) : () -> ()
    %dma_wait3A_106 = arith.constant 6 : i32
    %dma_wait3A_107 = arith.constant 0 : i32
    %dma_wait3A_108 = tpu.memref_slice %arg5[%dma_wait3A_106, %dma_wait3A_107] : memref<8x128xi32, #tpu.memory_space<vmem>> -> memref<1x128xi32, #tpu.memory_space<vmem>>
    %dma_wait3A_109 = tpu.memref_squeeze %dma_wait3A_108 : memref<1x128xi32, #tpu.memory_space<vmem>> -> memref<128xi32, #tpu.memory_space<vmem>>
    %dma_wait3A_110 = arith.constant 0 : i32
    %dma_wait3A_111 = arith.constant 0 : i32
    %dma_wait3A_112 = tpu.memref_slice %arg2[%dma_wait3A_110, %dma_wait3A_111] : memref<8192x256xf32, #tpu.memory_space<hbm>> -> memref<8192x256xf32, #tpu.memory_space<hbm>>
    tpu.wait_indirect_dma semaphore(%arg8 : memref<!tpu.dma_semaphore, #tpu.memory_space<semaphore_mem>>) src(%dma_wait3A_112 : memref<8192x256xf32, #tpu.memory_space<hbm>>) dst(%arg6 : memref<128x256xf32, #tpu.memory_space<vmem>>)
    %dma_start3A_113 = arith.constant 7 : i32
    %dma_start3A_114 = arith.constant 0 : i32
    %dma_start3A_115 = tpu.memref_slice %arg5[%dma_start3A_113, %dma_start3A_114] : memref<8x128xi32, #tpu.memory_space<vmem>> -> memref<1x128xi32, #tpu.memory_space<vmem>>
    %dma_start3A_116 = tpu.memref_squeeze %dma_start3A_115 : memref<1x128xi32, #tpu.memory_space<vmem>> -> memref<128xi32, #tpu.memory_space<vmem>>
    %dma_start3A_117 = arith.constant 0 : i32
    %dma_start3A_118 = arith.constant 0 : i32
    %dma_start3A_119 = tpu.memref_slice %arg2[%dma_start3A_117, %dma_start3A_118] : memref<8192x256xf32, #tpu.memory_space<hbm>> -> memref<8192x256xf32, #tpu.memory_space<hbm>>
    tpu.enqueue_indirect_dma source(%dma_start3A_119 : memref<8192x256xf32, #tpu.memory_space<hbm>>) target(%arg7 : memref<128x256xf32, #tpu.memory_space<vmem>>) offsets(%dma_start3A_116 : memref<128xi32, #tpu.memory_space<vmem>>) semaphore(%arg9 : memref<!tpu.dma_semaphore, #tpu.memory_space<semaphore_mem>>)
    %add3A_120 = arith.constant 768 : i32
    %add3A_121 = arith.addi %mul3A_2, %add3A_120 : i32
    "tpu.region"() ({
      %run_scoped3A = tpu.sem_alloc : memref<!tpu.dma_semaphore, #tpu.memory_space<semaphore_mem>>
      %dma_start3A_131 = arith.constant 0 : i32
      %dma_start3A_132 = tpu.memref_slice %arg4[%add3A_121, %dma_start3A_131] : memref<32768x256xf32, #tpu.memory_space<hbm>> -> memref<128x256xf32, #tpu.memory_space<hbm>>
      %dma_start3A_133 = arith.constant 0 : i32
      %dma_start3A_134 = tpu.memref_slice %arg4[%add3A_121, %dma_start3A_133] : memref<32768x256xf32, #tpu.memory_space<hbm>> -> memref<128x256xf32, #tpu.memory_space<hbm>>
      tpu.enqueue_dma source(%arg6 : memref<128x256xf32, #tpu.memory_space<vmem>>) target(%dma_start3A_134 : memref<128x256xf32, #tpu.memory_space<hbm>>) target_semaphore(%run_scoped3A : memref<!tpu.dma_semaphore, #tpu.memory_space<semaphore_mem>>)
      %dma_wait3A_135 = arith.constant 0 : i32
      %dma_wait3A_136 = tpu.memref_slice %arg4[%add3A_121, %dma_wait3A_135] : memref<32768x256xf32, #tpu.memory_space<hbm>> -> memref<128x256xf32, #tpu.memory_space<hbm>>
      %dma_wait3A_137 = arith.constant 0 : i32
      %dma_wait3A_138 = tpu.memref_slice %arg4[%add3A_121, %dma_wait3A_137] : memref<32768x256xf32, #tpu.memory_space<hbm>> -> memref<128x256xf32, #tpu.memory_space<hbm>>
      tpu.wait_dma2 semaphore(%run_scoped3A : memref<!tpu.dma_semaphore, #tpu.memory_space<semaphore_mem>>) src(%arg6 : memref<128x256xf32, #tpu.memory_space<vmem>>) dst(%dma_wait3A_138 : memref<128x256xf32, #tpu.memory_space<hbm>>)
      tpu.yield
    }) : () -> ()
    %dma_wait3A_122 = arith.constant 7 : i32
    %dma_wait3A_123 = arith.constant 0 : i32
    %dma_wait3A_124 = tpu.memref_slice %arg5[%dma_wait3A_122, %dma_wait3A_123] : memref<8x128xi32, #tpu.memory_space<vmem>> -> memref<1x128xi32, #tpu.memory_space<vmem>>
    %dma_wait3A_125 = tpu.memref_squeeze %dma_wait3A_124 : memref<1x128xi32, #tpu.memory_space<vmem>> -> memref<128xi32, #tpu.memory_space<vmem>>
    %dma_wait3A_126 = arith.constant 0 : i32
    %dma_wait3A_127 = arith.constant 0 : i32
    %dma_wait3A_128 = tpu.memref_slice %arg2[%dma_wait3A_126, %dma_wait3A_127] : memref<8192x256xf32, #tpu.memory_space<hbm>> -> memref<8192x256xf32, #tpu.memory_space<hbm>>
    tpu.wait_indirect_dma semaphore(%arg9 : memref<!tpu.dma_semaphore, #tpu.memory_space<semaphore_mem>>) src(%dma_wait3A_128 : memref<8192x256xf32, #tpu.memory_space<hbm>>) dst(%arg7 : memref<128x256xf32, #tpu.memory_space<vmem>>)
    %add3A_129 = arith.constant 896 : i32
    %add3A_130 = arith.addi %mul3A_2, %add3A_129 : i32
    "tpu.region"() ({
      %run_scoped3A = tpu.sem_alloc : memref<!tpu.dma_semaphore, #tpu.memory_space<semaphore_mem>>
      %dma_start3A_131 = arith.constant 0 : i32
      %dma_start3A_132 = tpu.memref_slice %arg4[%add3A_130, %dma_start3A_131] : memref<32768x256xf32, #tpu.memory_space<hbm>> -> memref<128x256xf32, #tpu.memory_space<hbm>>
      %dma_start3A_133 = arith.constant 0 : i32
      %dma_start3A_134 = tpu.memref_slice %arg4[%add3A_130, %dma_start3A_133] : memref<32768x256xf32, #tpu.memory_space<hbm>> -> memref<128x256xf32, #tpu.memory_space<hbm>>
      tpu.enqueue_dma source(%arg7 : memref<128x256xf32, #tpu.memory_space<vmem>>) target(%dma_start3A_134 : memref<128x256xf32, #tpu.memory_space<hbm>>) target_semaphore(%run_scoped3A : memref<!tpu.dma_semaphore, #tpu.memory_space<semaphore_mem>>)
      %dma_wait3A_135 = arith.constant 0 : i32
      %dma_wait3A_136 = tpu.memref_slice %arg4[%add3A_130, %dma_wait3A_135] : memref<32768x256xf32, #tpu.memory_space<hbm>> -> memref<128x256xf32, #tpu.memory_space<hbm>>
      %dma_wait3A_137 = arith.constant 0 : i32
      %dma_wait3A_138 = tpu.memref_slice %arg4[%add3A_130, %dma_wait3A_137] : memref<32768x256xf32, #tpu.memory_space<hbm>> -> memref<128x256xf32, #tpu.memory_space<hbm>>
      tpu.wait_dma2 semaphore(%run_scoped3A : memref<!tpu.dma_semaphore, #tpu.memory_space<semaphore_mem>>) src(%arg7 : memref<128x256xf32, #tpu.memory_space<vmem>>) dst(%dma_wait3A_138 : memref<128x256xf32, #tpu.memory_space<hbm>>)
      tpu.yield
    }) : () -> ()
    return
  }
}

module attributes {stable_mosaic.version = 14 : i64} {
  func.func @_argmin_body(%arg0: i32, %arg1: memref<1x256x256xf32, #tpu.memory_space<vmem>>, %arg2: memref<1x1x256xf32, #tpu.memory_space<vmem>>, %arg3: memref<8192x128xf32, #tpu.memory_space<vmem>>, %arg4: memref<8192x256xf32, #tpu.memory_space<vmem>>, %arg5: memref<1x1x256xi32, #tpu.memory_space<vmem>>) attributes {dimension_semantics = [#tpu.dimension_semantics<arbitrary>], iteration_bounds = array<i64: 128>, scalar_prefetch = 0 : i64, scratch_operands = 0 : i64, tpu.core_type = #tpu.core_type<tc>, window_params = [{transform_indices = @transform_0, window_bounds = array<i64: 1, 256, 256>}, {transform_indices = @transform_1, window_bounds = array<i64: 1, 1, 256>}, {pipeline_mode = #tpu.pipeline_mode<synchronous>, transform_indices = @transform_2, window_bounds = array<i64: 8192, 128>}, {pipeline_mode = #tpu.pipeline_mode<synchronous>, transform_indices = @transform_3, window_bounds = array<i64: 8192, 256>}, {transform_indices = @transform_4, window_bounds = array<i64: 1, 1, 256>}]} {
    %get3A = arith.constant 0 : index
    %get3A_0 = arith.constant 0 : index
    %get3A_1 = arith.constant 0 : index
    %get3A_2 = vector.load %arg1[%get3A, %get3A_0, %get3A_1] : memref<1x256x256xf32, #tpu.memory_space<vmem>>, vector<1x256x256xf32>
    %get3A_3 = vector.shape_cast %get3A_2 : vector<1x256x256xf32> to vector<256x256xf32>
    %get3A_4 = arith.constant 0 : index
    %get3A_5 = arith.constant 0 : index
    %get3A_6 = arith.constant 0 : index
    %get3A_7 = vector.load %arg2[%get3A_4, %get3A_5, %get3A_6] : memref<1x1x256xf32, #tpu.memory_space<vmem>>, vector<1x1x256xf32>
    %get3A_8 = vector.shape_cast %get3A_7 : vector<1x1x256xf32> to vector<1x256xf32>
    %broadcast_in_dim3A = arith.constant 0x7F800000 : f32
    %broadcast_in_dim3A_9 = vector.broadcast %broadcast_in_dim3A : f32 to vector<1x256xf32>
    %broadcast_in_dim3A_10 = arith.constant 0x7F800000 : f32
    %broadcast_in_dim3A_11 = vector.broadcast %broadcast_in_dim3A_10 : f32 to vector<1x256xf32>
    %broadcast_in_dim3A_12 = arith.constant 0x7F800000 : f32
    %broadcast_in_dim3A_13 = vector.broadcast %broadcast_in_dim3A_12 : f32 to vector<1x256xf32>
    %broadcast_in_dim3A_14 = arith.constant 1073741824 : i32
    %broadcast_in_dim3A_15 = vector.broadcast %broadcast_in_dim3A_14 : i32 to vector<1x256xi32>
    %broadcast_in_dim3A_16 = arith.constant 1073741824 : i32
    %broadcast_in_dim3A_17 = vector.broadcast %broadcast_in_dim3A_16 : i32 to vector<1x256xi32>
    %broadcast_in_dim3A_18 = arith.constant 1073741824 : i32
    %broadcast_in_dim3A_19 = vector.broadcast %broadcast_in_dim3A_18 : i32 to vector<1x256xi32>
    %iota3A = tpu.iota {dimensions = array<i32: 0>} : vector<1024x256xi32>
    %get3A_20 = arith.constant 0 : index
    %get3A_21 = arith.constant 0 : index
    %get3A_22 = vector.load %arg4[%get3A_20, %get3A_21] : memref<8192x256xf32, #tpu.memory_space<vmem>>, vector<1024x256xf32>
    %dot_general3A = arith.constant dense<0.000000e+00> : vector<1024x256xf32>
    %dot_general3A_23 = tpu.matmul %get3A_22, %get3A_3, %dot_general3A {dimension_numbers = #tpu.dot_dimension_numbers<[1], [0], [0], [1], [0, 0, 1, 1], [], []>, transpose_lhs_hint = false} : vector<1024x256xf32>, vector<256x256xf32>, vector<1024x256xf32> -> vector<1024x256xf32>
    %get3A_24 = arith.constant 0 : index
    %get3A_25 = arith.constant 0 : index
    %get3A_26 = vector.load %arg3[%get3A_24, %get3A_25] : memref<8192x128xf32, #tpu.memory_space<vmem>>, vector<1024x1xf32>
    %add3A = vector.broadcast %get3A_8 : vector<1x256xf32> to vector<1024x256xf32>
    %add3A_27 = vector.broadcast %get3A_26 : vector<1024x1xf32> to vector<1024x256xf32>
    %add3A_28 = arith.addf %add3A, %add3A_27 : vector<1024x256xf32>
    %mul3A = arith.constant 2.000000e+00 : f32
    %mul3A_29 = vector.broadcast %mul3A : f32 to vector<1024x256xf32>
    %mul3A_30 = arith.mulf %mul3A_29, %dot_general3A_23 : vector<1024x256xf32>
    %sub3A = arith.subf %add3A_28, %mul3A_30 : vector<1024x256xf32>
    %add3A_31 = arith.constant 0 : i32
    %add3A_32 = vector.broadcast %add3A_31 : i32 to vector<1024x256xi32>
    %add3A_33 = arith.addi %iota3A, %add3A_32 : vector<1024x256xi32>
    %reduce_min3A = arith.constant dense<0x7F800000> : vector<256xf32>
    %reduce_min3A_34 = vector.multi_reduction <minimumf>, %sub3A, %reduce_min3A [0] : vector<1024x256xf32> to vector<256xf32>
    %broadcast_in_dim3A_35 = vector.shape_cast %reduce_min3A_34 : vector<256xf32> to vector<1x256xf32>
    %eq3A = vector.broadcast %broadcast_in_dim3A_35 : vector<1x256xf32> to vector<1024x256xf32>
    %eq3A_36 = arith.cmpf oeq, %sub3A, %eq3A : vector<1024x256xf32>
    %jit3A = arith.constant 1073741824 : i32
    %broadcast_in_dim3A_37 = vector.broadcast %jit3A : i32 to vector<1024x256xi32>
    %select_n3A = arith.select %eq3A_36, %add3A_33, %broadcast_in_dim3A_37 : vector<1024x256xi1>, vector<1024x256xi32>
    %reduce_min3A_38 = arith.constant dense<2147483647> : vector<256xi32>
    %reduce_min3A_39 = vector.multi_reduction <minsi>, %select_n3A, %reduce_min3A_38 [0] : vector<1024x256xi32> to vector<256xi32>
    %broadcast_in_dim3A_40 = vector.shape_cast %reduce_min3A_39 : vector<256xi32> to vector<1x256xi32>
    %lt3A = arith.cmpf olt, %broadcast_in_dim3A_35, %broadcast_in_dim3A_9 : vector<1x256xf32>
    %select_n3A_41 = arith.select %lt3A, %broadcast_in_dim3A_40, %broadcast_in_dim3A_15 : vector<1x256xi1>, vector<1x256xi32>
    %select_n3A_42 = arith.select %lt3A, %broadcast_in_dim3A_35, %broadcast_in_dim3A_9 : vector<1x256xi1>, vector<1x256xf32>
    %get3A_43 = arith.constant 1024 : index
    %get3A_44 = arith.constant 0 : index
    %get3A_45 = vector.load %arg4[%get3A_43, %get3A_44] : memref<8192x256xf32, #tpu.memory_space<vmem>>, vector<1024x256xf32>
    %dot_general3A_46 = arith.constant dense<0.000000e+00> : vector<1024x256xf32>
    %dot_general3A_47 = tpu.matmul %get3A_45, %get3A_3, %dot_general3A_46 {dimension_numbers = #tpu.dot_dimension_numbers<[1], [0], [0], [1], [0, 0, 1, 1], [], []>, transpose_lhs_hint = false} : vector<1024x256xf32>, vector<256x256xf32>, vector<1024x256xf32> -> vector<1024x256xf32>
    %get3A_48 = arith.constant 1024 : index
    %get3A_49 = arith.constant 0 : index
    %get3A_50 = vector.load %arg3[%get3A_48, %get3A_49] : memref<8192x128xf32, #tpu.memory_space<vmem>>, vector<1024x1xf32>
    %add3A_51 = vector.broadcast %get3A_8 : vector<1x256xf32> to vector<1024x256xf32>
    %add3A_52 = vector.broadcast %get3A_50 : vector<1024x1xf32> to vector<1024x256xf32>
    %add3A_53 = arith.addf %add3A_51, %add3A_52 : vector<1024x256xf32>
    %mul3A_54 = arith.constant 2.000000e+00 : f32
    %mul3A_55 = vector.broadcast %mul3A_54 : f32 to vector<1024x256xf32>
    %mul3A_56 = arith.mulf %mul3A_55, %dot_general3A_47 : vector<1024x256xf32>
    %sub3A_57 = arith.subf %add3A_53, %mul3A_56 : vector<1024x256xf32>
    %add3A_58 = arith.constant 1024 : i32
    %add3A_59 = vector.broadcast %add3A_58 : i32 to vector<1024x256xi32>
    %add3A_60 = arith.addi %iota3A, %add3A_59 : vector<1024x256xi32>
    %reduce_min3A_61 = arith.constant dense<0x7F800000> : vector<256xf32>
    %reduce_min3A_62 = vector.multi_reduction <minimumf>, %sub3A_57, %reduce_min3A_61 [0] : vector<1024x256xf32> to vector<256xf32>
    %broadcast_in_dim3A_63 = vector.shape_cast %reduce_min3A_62 : vector<256xf32> to vector<1x256xf32>
    %eq3A_64 = vector.broadcast %broadcast_in_dim3A_63 : vector<1x256xf32> to vector<1024x256xf32>
    %eq3A_65 = arith.cmpf oeq, %sub3A_57, %eq3A_64 : vector<1024x256xf32>
    %jit3A_66 = arith.constant 1073741824 : i32
    %broadcast_in_dim3A_67 = vector.broadcast %jit3A_66 : i32 to vector<1024x256xi32>
    %select_n3A_68 = arith.select %eq3A_65, %add3A_60, %broadcast_in_dim3A_67 : vector<1024x256xi1>, vector<1024x256xi32>
    %reduce_min3A_69 = arith.constant dense<2147483647> : vector<256xi32>
    %reduce_min3A_70 = vector.multi_reduction <minsi>, %select_n3A_68, %reduce_min3A_69 [0] : vector<1024x256xi32> to vector<256xi32>
    %broadcast_in_dim3A_71 = vector.shape_cast %reduce_min3A_70 : vector<256xi32> to vector<1x256xi32>
    %lt3A_72 = arith.cmpf olt, %broadcast_in_dim3A_63, %select_n3A_42 : vector<1x256xf32>
    %select_n3A_73 = arith.select %lt3A_72, %broadcast_in_dim3A_71, %select_n3A_41 : vector<1x256xi1>, vector<1x256xi32>
    %select_n3A_74 = arith.select %lt3A_72, %broadcast_in_dim3A_63, %select_n3A_42 : vector<1x256xi1>, vector<1x256xf32>
    %get3A_75 = arith.constant 2048 : index
    %get3A_76 = arith.constant 0 : index
    %get3A_77 = vector.load %arg4[%get3A_75, %get3A_76] : memref<8192x256xf32, #tpu.memory_space<vmem>>, vector<1024x256xf32>
    %dot_general3A_78 = arith.constant dense<0.000000e+00> : vector<1024x256xf32>
    %dot_general3A_79 = tpu.matmul %get3A_77, %get3A_3, %dot_general3A_78 {dimension_numbers = #tpu.dot_dimension_numbers<[1], [0], [0], [1], [0, 0, 1, 1], [], []>, transpose_lhs_hint = false} : vector<1024x256xf32>, vector<256x256xf32>, vector<1024x256xf32> -> vector<1024x256xf32>
    %get3A_80 = arith.constant 2048 : index
    %get3A_81 = arith.constant 0 : index
    %get3A_82 = vector.load %arg3[%get3A_80, %get3A_81] : memref<8192x128xf32, #tpu.memory_space<vmem>>, vector<1024x1xf32>
    %add3A_83 = vector.broadcast %get3A_8 : vector<1x256xf32> to vector<1024x256xf32>
    %add3A_84 = vector.broadcast %get3A_82 : vector<1024x1xf32> to vector<1024x256xf32>
    %add3A_85 = arith.addf %add3A_83, %add3A_84 : vector<1024x256xf32>
    %mul3A_86 = arith.constant 2.000000e+00 : f32
    %mul3A_87 = vector.broadcast %mul3A_86 : f32 to vector<1024x256xf32>
    %mul3A_88 = arith.mulf %mul3A_87, %dot_general3A_79 : vector<1024x256xf32>
    %sub3A_89 = arith.subf %add3A_85, %mul3A_88 : vector<1024x256xf32>
    %add3A_90 = arith.constant 2048 : i32
    %add3A_91 = vector.broadcast %add3A_90 : i32 to vector<1024x256xi32>
    %add3A_92 = arith.addi %iota3A, %add3A_91 : vector<1024x256xi32>
    %ge3A = arith.constant 0 : i32
    %ge3A_93 = vector.broadcast %ge3A : i32 to vector<1024x256xi32>
    %ge3A_94 = arith.cmpi sge, %add3A_92, %ge3A_93 : vector<1024x256xi32>
    %lt3A_95 = arith.constant 2736 : i32
    %lt3A_96 = vector.broadcast %lt3A_95 : i32 to vector<1024x256xi32>
    %lt3A_97 = arith.cmpi slt, %add3A_92, %lt3A_96 : vector<1024x256xi32>
    %and3A = arith.andi %ge3A_94, %lt3A_97 : vector<1024x256xi1>
    %jit3A_98 = arith.constant 0x7F800000 : f32
    %broadcast_in_dim3A_99 = vector.broadcast %jit3A_98 : f32 to vector<1024x256xf32>
    %select_n3A_100 = arith.select %and3A, %sub3A_89, %broadcast_in_dim3A_99 : vector<1024x256xi1>, vector<1024x256xf32>
    %reduce_min3A_101 = arith.constant dense<0x7F800000> : vector<256xf32>
    %reduce_min3A_102 = vector.multi_reduction <minimumf>, %select_n3A_100, %reduce_min3A_101 [0] : vector<1024x256xf32> to vector<256xf32>
    %broadcast_in_dim3A_103 = vector.shape_cast %reduce_min3A_102 : vector<256xf32> to vector<1x256xf32>
    %eq3A_104 = vector.broadcast %broadcast_in_dim3A_103 : vector<1x256xf32> to vector<1024x256xf32>
    %eq3A_105 = arith.cmpf oeq, %select_n3A_100, %eq3A_104 : vector<1024x256xf32>
    %jit3A_106 = arith.constant 1073741824 : i32
    %broadcast_in_dim3A_107 = vector.broadcast %jit3A_106 : i32 to vector<1024x256xi32>
    %select_n3A_108 = arith.select %eq3A_105, %add3A_92, %broadcast_in_dim3A_107 : vector<1024x256xi1>, vector<1024x256xi32>
    %reduce_min3A_109 = arith.constant dense<2147483647> : vector<256xi32>
    %reduce_min3A_110 = vector.multi_reduction <minsi>, %select_n3A_108, %reduce_min3A_109 [0] : vector<1024x256xi32> to vector<256xi32>
    %broadcast_in_dim3A_111 = vector.shape_cast %reduce_min3A_110 : vector<256xi32> to vector<1x256xi32>
    %lt3A_112 = arith.cmpf olt, %broadcast_in_dim3A_103, %select_n3A_74 : vector<1x256xf32>
    %select_n3A_113 = arith.select %lt3A_112, %broadcast_in_dim3A_111, %select_n3A_73 : vector<1x256xi1>, vector<1x256xi32>
    %select_n3A_114 = arith.select %lt3A_112, %broadcast_in_dim3A_103, %select_n3A_74 : vector<1x256xi1>, vector<1x256xf32>
    %ge3A_115 = arith.constant 2736 : i32
    %ge3A_116 = vector.broadcast %ge3A_115 : i32 to vector<1024x256xi32>
    %ge3A_117 = arith.cmpi sge, %add3A_92, %ge3A_116 : vector<1024x256xi32>
    %lt3A_118 = arith.constant 5472 : i32
    %lt3A_119 = vector.broadcast %lt3A_118 : i32 to vector<1024x256xi32>
    %lt3A_120 = arith.cmpi slt, %add3A_92, %lt3A_119 : vector<1024x256xi32>
    %and3A_121 = arith.andi %ge3A_117, %lt3A_120 : vector<1024x256xi1>
    %jit3A_122 = arith.constant 0x7F800000 : f32
    %broadcast_in_dim3A_123 = vector.broadcast %jit3A_122 : f32 to vector<1024x256xf32>
    %select_n3A_124 = arith.select %and3A_121, %sub3A_89, %broadcast_in_dim3A_123 : vector<1024x256xi1>, vector<1024x256xf32>
    %reduce_min3A_125 = arith.constant dense<0x7F800000> : vector<256xf32>
    %reduce_min3A_126 = vector.multi_reduction <minimumf>, %select_n3A_124, %reduce_min3A_125 [0] : vector<1024x256xf32> to vector<256xf32>
    %broadcast_in_dim3A_127 = vector.shape_cast %reduce_min3A_126 : vector<256xf32> to vector<1x256xf32>
    %eq3A_128 = vector.broadcast %broadcast_in_dim3A_127 : vector<1x256xf32> to vector<1024x256xf32>
    %eq3A_129 = arith.cmpf oeq, %select_n3A_124, %eq3A_128 : vector<1024x256xf32>
    %jit3A_130 = arith.constant 1073741824 : i32
    %broadcast_in_dim3A_131 = vector.broadcast %jit3A_130 : i32 to vector<1024x256xi32>
    %select_n3A_132 = arith.select %eq3A_129, %add3A_92, %broadcast_in_dim3A_131 : vector<1024x256xi1>, vector<1024x256xi32>
    %reduce_min3A_133 = arith.constant dense<2147483647> : vector<256xi32>
    %reduce_min3A_134 = vector.multi_reduction <minsi>, %select_n3A_132, %reduce_min3A_133 [0] : vector<1024x256xi32> to vector<256xi32>
    %broadcast_in_dim3A_135 = vector.shape_cast %reduce_min3A_134 : vector<256xi32> to vector<1x256xi32>
    %lt3A_136 = arith.cmpf olt, %broadcast_in_dim3A_127, %broadcast_in_dim3A_11 : vector<1x256xf32>
    %select_n3A_137 = arith.select %lt3A_136, %broadcast_in_dim3A_135, %broadcast_in_dim3A_17 : vector<1x256xi1>, vector<1x256xi32>
    %select_n3A_138 = arith.select %lt3A_136, %broadcast_in_dim3A_127, %broadcast_in_dim3A_11 : vector<1x256xi1>, vector<1x256xf32>
    %get3A_139 = arith.constant 3072 : index
    %get3A_140 = arith.constant 0 : index
    %get3A_141 = vector.load %arg4[%get3A_139, %get3A_140] : memref<8192x256xf32, #tpu.memory_space<vmem>>, vector<1024x256xf32>
    %dot_general3A_142 = arith.constant dense<0.000000e+00> : vector<1024x256xf32>
    %dot_general3A_143 = tpu.matmul %get3A_141, %get3A_3, %dot_general3A_142 {dimension_numbers = #tpu.dot_dimension_numbers<[1], [0], [0], [1], [0, 0, 1, 1], [], []>, transpose_lhs_hint = false} : vector<1024x256xf32>, vector<256x256xf32>, vector<1024x256xf32> -> vector<1024x256xf32>
    %get3A_144 = arith.constant 3072 : index
    %get3A_145 = arith.constant 0 : index
    %get3A_146 = vector.load %arg3[%get3A_144, %get3A_145] : memref<8192x128xf32, #tpu.memory_space<vmem>>, vector<1024x1xf32>
    %add3A_147 = vector.broadcast %get3A_8 : vector<1x256xf32> to vector<1024x256xf32>
    %add3A_148 = vector.broadcast %get3A_146 : vector<1024x1xf32> to vector<1024x256xf32>
    %add3A_149 = arith.addf %add3A_147, %add3A_148 : vector<1024x256xf32>
    %mul3A_150 = arith.constant 2.000000e+00 : f32
    %mul3A_151 = vector.broadcast %mul3A_150 : f32 to vector<1024x256xf32>
    %mul3A_152 = arith.mulf %mul3A_151, %dot_general3A_143 : vector<1024x256xf32>
    %sub3A_153 = arith.subf %add3A_149, %mul3A_152 : vector<1024x256xf32>
    %add3A_154 = arith.constant 3072 : i32
    %add3A_155 = vector.broadcast %add3A_154 : i32 to vector<1024x256xi32>
    %add3A_156 = arith.addi %iota3A, %add3A_155 : vector<1024x256xi32>
    %reduce_min3A_157 = arith.constant dense<0x7F800000> : vector<256xf32>
    %reduce_min3A_158 = vector.multi_reduction <minimumf>, %sub3A_153, %reduce_min3A_157 [0] : vector<1024x256xf32> to vector<256xf32>
    %broadcast_in_dim3A_159 = vector.shape_cast %reduce_min3A_158 : vector<256xf32> to vector<1x256xf32>
    %eq3A_160 = vector.broadcast %broadcast_in_dim3A_159 : vector<1x256xf32> to vector<1024x256xf32>
    %eq3A_161 = arith.cmpf oeq, %sub3A_153, %eq3A_160 : vector<1024x256xf32>
    %jit3A_162 = arith.constant 1073741824 : i32
    %broadcast_in_dim3A_163 = vector.broadcast %jit3A_162 : i32 to vector<1024x256xi32>
    %select_n3A_164 = arith.select %eq3A_161, %add3A_156, %broadcast_in_dim3A_163 : vector<1024x256xi1>, vector<1024x256xi32>
    %reduce_min3A_165 = arith.constant dense<2147483647> : vector<256xi32>
    %reduce_min3A_166 = vector.multi_reduction <minsi>, %select_n3A_164, %reduce_min3A_165 [0] : vector<1024x256xi32> to vector<256xi32>
    %broadcast_in_dim3A_167 = vector.shape_cast %reduce_min3A_166 : vector<256xi32> to vector<1x256xi32>
    %lt3A_168 = arith.cmpf olt, %broadcast_in_dim3A_159, %select_n3A_138 : vector<1x256xf32>
    %select_n3A_169 = arith.select %lt3A_168, %broadcast_in_dim3A_167, %select_n3A_137 : vector<1x256xi1>, vector<1x256xi32>
    %select_n3A_170 = arith.select %lt3A_168, %broadcast_in_dim3A_159, %select_n3A_138 : vector<1x256xi1>, vector<1x256xf32>
    %get3A_171 = arith.constant 4096 : index
    %get3A_172 = arith.constant 0 : index
    %get3A_173 = vector.load %arg4[%get3A_171, %get3A_172] : memref<8192x256xf32, #tpu.memory_space<vmem>>, vector<1024x256xf32>
    %dot_general3A_174 = arith.constant dense<0.000000e+00> : vector<1024x256xf32>
    %dot_general3A_175 = tpu.matmul %get3A_173, %get3A_3, %dot_general3A_174 {dimension_numbers = #tpu.dot_dimension_numbers<[1], [0], [0], [1], [0, 0, 1, 1], [], []>, transpose_lhs_hint = false} : vector<1024x256xf32>, vector<256x256xf32>, vector<1024x256xf32> -> vector<1024x256xf32>
    %get3A_176 = arith.constant 4096 : index
    %get3A_177 = arith.constant 0 : index
    %get3A_178 = vector.load %arg3[%get3A_176, %get3A_177] : memref<8192x128xf32, #tpu.memory_space<vmem>>, vector<1024x1xf32>
    %add3A_179 = vector.broadcast %get3A_8 : vector<1x256xf32> to vector<1024x256xf32>
    %add3A_180 = vector.broadcast %get3A_178 : vector<1024x1xf32> to vector<1024x256xf32>
    %add3A_181 = arith.addf %add3A_179, %add3A_180 : vector<1024x256xf32>
    %mul3A_182 = arith.constant 2.000000e+00 : f32
    %mul3A_183 = vector.broadcast %mul3A_182 : f32 to vector<1024x256xf32>
    %mul3A_184 = arith.mulf %mul3A_183, %dot_general3A_175 : vector<1024x256xf32>
    %sub3A_185 = arith.subf %add3A_181, %mul3A_184 : vector<1024x256xf32>
    %add3A_186 = arith.constant 4096 : i32
    %add3A_187 = vector.broadcast %add3A_186 : i32 to vector<1024x256xi32>
    %add3A_188 = arith.addi %iota3A, %add3A_187 : vector<1024x256xi32>
    %reduce_min3A_189 = arith.constant dense<0x7F800000> : vector<256xf32>
    %reduce_min3A_190 = vector.multi_reduction <minimumf>, %sub3A_185, %reduce_min3A_189 [0] : vector<1024x256xf32> to vector<256xf32>
    %broadcast_in_dim3A_191 = vector.shape_cast %reduce_min3A_190 : vector<256xf32> to vector<1x256xf32>
    %eq3A_192 = vector.broadcast %broadcast_in_dim3A_191 : vector<1x256xf32> to vector<1024x256xf32>
    %eq3A_193 = arith.cmpf oeq, %sub3A_185, %eq3A_192 : vector<1024x256xf32>
    %jit3A_194 = arith.constant 1073741824 : i32
    %broadcast_in_dim3A_195 = vector.broadcast %jit3A_194 : i32 to vector<1024x256xi32>
    %select_n3A_196 = arith.select %eq3A_193, %add3A_188, %broadcast_in_dim3A_195 : vector<1024x256xi1>, vector<1024x256xi32>
    %reduce_min3A_197 = arith.constant dense<2147483647> : vector<256xi32>
    %reduce_min3A_198 = vector.multi_reduction <minsi>, %select_n3A_196, %reduce_min3A_197 [0] : vector<1024x256xi32> to vector<256xi32>
    %broadcast_in_dim3A_199 = vector.shape_cast %reduce_min3A_198 : vector<256xi32> to vector<1x256xi32>
    %lt3A_200 = arith.cmpf olt, %broadcast_in_dim3A_191, %select_n3A_170 : vector<1x256xf32>
    %select_n3A_201 = arith.select %lt3A_200, %broadcast_in_dim3A_199, %select_n3A_169 : vector<1x256xi1>, vector<1x256xi32>
    %select_n3A_202 = arith.select %lt3A_200, %broadcast_in_dim3A_191, %select_n3A_170 : vector<1x256xi1>, vector<1x256xf32>
    %get3A_203 = arith.constant 5120 : index
    %get3A_204 = arith.constant 0 : index
    %get3A_205 = vector.load %arg4[%get3A_203, %get3A_204] : memref<8192x256xf32, #tpu.memory_space<vmem>>, vector<1024x256xf32>
    %dot_general3A_206 = arith.constant dense<0.000000e+00> : vector<1024x256xf32>
    %dot_general3A_207 = tpu.matmul %get3A_205, %get3A_3, %dot_general3A_206 {dimension_numbers = #tpu.dot_dimension_numbers<[1], [0], [0], [1], [0, 0, 1, 1], [], []>, transpose_lhs_hint = false} : vector<1024x256xf32>, vector<256x256xf32>, vector<1024x256xf32> -> vector<1024x256xf32>
    %get3A_208 = arith.constant 5120 : index
    %get3A_209 = arith.constant 0 : index
    %get3A_210 = vector.load %arg3[%get3A_208, %get3A_209] : memref<8192x128xf32, #tpu.memory_space<vmem>>, vector<1024x1xf32>
    %add3A_211 = vector.broadcast %get3A_8 : vector<1x256xf32> to vector<1024x256xf32>
    %add3A_212 = vector.broadcast %get3A_210 : vector<1024x1xf32> to vector<1024x256xf32>
    %add3A_213 = arith.addf %add3A_211, %add3A_212 : vector<1024x256xf32>
    %mul3A_214 = arith.constant 2.000000e+00 : f32
    %mul3A_215 = vector.broadcast %mul3A_214 : f32 to vector<1024x256xf32>
    %mul3A_216 = arith.mulf %mul3A_215, %dot_general3A_207 : vector<1024x256xf32>
    %sub3A_217 = arith.subf %add3A_213, %mul3A_216 : vector<1024x256xf32>
    %add3A_218 = arith.constant 5120 : i32
    %add3A_219 = vector.broadcast %add3A_218 : i32 to vector<1024x256xi32>
    %add3A_220 = arith.addi %iota3A, %add3A_219 : vector<1024x256xi32>
    %ge3A_221 = arith.constant 2736 : i32
    %ge3A_222 = vector.broadcast %ge3A_221 : i32 to vector<1024x256xi32>
    %ge3A_223 = arith.cmpi sge, %add3A_220, %ge3A_222 : vector<1024x256xi32>
    %lt3A_224 = arith.constant 5472 : i32
    %lt3A_225 = vector.broadcast %lt3A_224 : i32 to vector<1024x256xi32>
    %lt3A_226 = arith.cmpi slt, %add3A_220, %lt3A_225 : vector<1024x256xi32>
    %and3A_227 = arith.andi %ge3A_223, %lt3A_226 : vector<1024x256xi1>
    %jit3A_228 = arith.constant 0x7F800000 : f32
    %broadcast_in_dim3A_229 = vector.broadcast %jit3A_228 : f32 to vector<1024x256xf32>
    %select_n3A_230 = arith.select %and3A_227, %sub3A_217, %broadcast_in_dim3A_229 : vector<1024x256xi1>, vector<1024x256xf32>
    %reduce_min3A_231 = arith.constant dense<0x7F800000> : vector<256xf32>
    %reduce_min3A_232 = vector.multi_reduction <minimumf>, %select_n3A_230, %reduce_min3A_231 [0] : vector<1024x256xf32> to vector<256xf32>
    %broadcast_in_dim3A_233 = vector.shape_cast %reduce_min3A_232 : vector<256xf32> to vector<1x256xf32>
    %eq3A_234 = vector.broadcast %broadcast_in_dim3A_233 : vector<1x256xf32> to vector<1024x256xf32>
    %eq3A_235 = arith.cmpf oeq, %select_n3A_230, %eq3A_234 : vector<1024x256xf32>
    %jit3A_236 = arith.constant 1073741824 : i32
    %broadcast_in_dim3A_237 = vector.broadcast %jit3A_236 : i32 to vector<1024x256xi32>
    %select_n3A_238 = arith.select %eq3A_235, %add3A_220, %broadcast_in_dim3A_237 : vector<1024x256xi1>, vector<1024x256xi32>
    %reduce_min3A_239 = arith.constant dense<2147483647> : vector<256xi32>
    %reduce_min3A_240 = vector.multi_reduction <minsi>, %select_n3A_238, %reduce_min3A_239 [0] : vector<1024x256xi32> to vector<256xi32>
    %broadcast_in_dim3A_241 = vector.shape_cast %reduce_min3A_240 : vector<256xi32> to vector<1x256xi32>
    %lt3A_242 = arith.cmpf olt, %broadcast_in_dim3A_233, %select_n3A_202 : vector<1x256xf32>
    %select_n3A_243 = arith.select %lt3A_242, %broadcast_in_dim3A_241, %select_n3A_201 : vector<1x256xi1>, vector<1x256xi32>
    %select_n3A_244 = arith.select %lt3A_242, %broadcast_in_dim3A_233, %select_n3A_202 : vector<1x256xi1>, vector<1x256xf32>
    %ge3A_245 = arith.constant 5472 : i32
    %ge3A_246 = vector.broadcast %ge3A_245 : i32 to vector<1024x256xi32>
    %ge3A_247 = arith.cmpi sge, %add3A_220, %ge3A_246 : vector<1024x256xi32>
    %lt3A_248 = arith.constant 8192 : i32
    %lt3A_249 = vector.broadcast %lt3A_248 : i32 to vector<1024x256xi32>
    %lt3A_250 = arith.cmpi slt, %add3A_220, %lt3A_249 : vector<1024x256xi32>
    %and3A_251 = arith.andi %ge3A_247, %lt3A_250 : vector<1024x256xi1>
    %jit3A_252 = arith.constant 0x7F800000 : f32
    %broadcast_in_dim3A_253 = vector.broadcast %jit3A_252 : f32 to vector<1024x256xf32>
    %select_n3A_254 = arith.select %and3A_251, %sub3A_217, %broadcast_in_dim3A_253 : vector<1024x256xi1>, vector<1024x256xf32>
    %reduce_min3A_255 = arith.constant dense<0x7F800000> : vector<256xf32>
    %reduce_min3A_256 = vector.multi_reduction <minimumf>, %select_n3A_254, %reduce_min3A_255 [0] : vector<1024x256xf32> to vector<256xf32>
    %broadcast_in_dim3A_257 = vector.shape_cast %reduce_min3A_256 : vector<256xf32> to vector<1x256xf32>
    %eq3A_258 = vector.broadcast %broadcast_in_dim3A_257 : vector<1x256xf32> to vector<1024x256xf32>
    %eq3A_259 = arith.cmpf oeq, %select_n3A_254, %eq3A_258 : vector<1024x256xf32>
    %jit3A_260 = arith.constant 1073741824 : i32
    %broadcast_in_dim3A_261 = vector.broadcast %jit3A_260 : i32 to vector<1024x256xi32>
    %select_n3A_262 = arith.select %eq3A_259, %add3A_220, %broadcast_in_dim3A_261 : vector<1024x256xi1>, vector<1024x256xi32>
    %reduce_min3A_263 = arith.constant dense<2147483647> : vector<256xi32>
    %reduce_min3A_264 = vector.multi_reduction <minsi>, %select_n3A_262, %reduce_min3A_263 [0] : vector<1024x256xi32> to vector<256xi32>
    %broadcast_in_dim3A_265 = vector.shape_cast %reduce_min3A_264 : vector<256xi32> to vector<1x256xi32>
    %lt3A_266 = arith.cmpf olt, %broadcast_in_dim3A_257, %broadcast_in_dim3A_13 : vector<1x256xf32>
    %select_n3A_267 = arith.select %lt3A_266, %broadcast_in_dim3A_265, %broadcast_in_dim3A_19 : vector<1x256xi1>, vector<1x256xi32>
    %select_n3A_268 = arith.select %lt3A_266, %broadcast_in_dim3A_257, %broadcast_in_dim3A_13 : vector<1x256xi1>, vector<1x256xf32>
    %get3A_269 = arith.constant 6144 : index
    %get3A_270 = arith.constant 0 : index
    %get3A_271 = vector.load %arg4[%get3A_269, %get3A_270] : memref<8192x256xf32, #tpu.memory_space<vmem>>, vector<1024x256xf32>
    %dot_general3A_272 = arith.constant dense<0.000000e+00> : vector<1024x256xf32>
    %dot_general3A_273 = tpu.matmul %get3A_271, %get3A_3, %dot_general3A_272 {dimension_numbers = #tpu.dot_dimension_numbers<[1], [0], [0], [1], [0, 0, 1, 1], [], []>, transpose_lhs_hint = false} : vector<1024x256xf32>, vector<256x256xf32>, vector<1024x256xf32> -> vector<1024x256xf32>
    %get3A_274 = arith.constant 6144 : index
    %get3A_275 = arith.constant 0 : index
    %get3A_276 = vector.load %arg3[%get3A_274, %get3A_275] : memref<8192x128xf32, #tpu.memory_space<vmem>>, vector<1024x1xf32>
    %add3A_277 = vector.broadcast %get3A_8 : vector<1x256xf32> to vector<1024x256xf32>
    %add3A_278 = vector.broadcast %get3A_276 : vector<1024x1xf32> to vector<1024x256xf32>
    %add3A_279 = arith.addf %add3A_277, %add3A_278 : vector<1024x256xf32>
    %mul3A_280 = arith.constant 2.000000e+00 : f32
    %mul3A_281 = vector.broadcast %mul3A_280 : f32 to vector<1024x256xf32>
    %mul3A_282 = arith.mulf %mul3A_281, %dot_general3A_273 : vector<1024x256xf32>
    %sub3A_283 = arith.subf %add3A_279, %mul3A_282 : vector<1024x256xf32>
    %add3A_284 = arith.constant 6144 : i32
    %add3A_285 = vector.broadcast %add3A_284 : i32 to vector<1024x256xi32>
    %add3A_286 = arith.addi %iota3A, %add3A_285 : vector<1024x256xi32>
    %reduce_min3A_287 = arith.constant dense<0x7F800000> : vector<256xf32>
    %reduce_min3A_288 = vector.multi_reduction <minimumf>, %sub3A_283, %reduce_min3A_287 [0] : vector<1024x256xf32> to vector<256xf32>
    %broadcast_in_dim3A_289 = vector.shape_cast %reduce_min3A_288 : vector<256xf32> to vector<1x256xf32>
    %eq3A_290 = vector.broadcast %broadcast_in_dim3A_289 : vector<1x256xf32> to vector<1024x256xf32>
    %eq3A_291 = arith.cmpf oeq, %sub3A_283, %eq3A_290 : vector<1024x256xf32>
    %jit3A_292 = arith.constant 1073741824 : i32
    %broadcast_in_dim3A_293 = vector.broadcast %jit3A_292 : i32 to vector<1024x256xi32>
    %select_n3A_294 = arith.select %eq3A_291, %add3A_286, %broadcast_in_dim3A_293 : vector<1024x256xi1>, vector<1024x256xi32>
    %reduce_min3A_295 = arith.constant dense<2147483647> : vector<256xi32>
    %reduce_min3A_296 = vector.multi_reduction <minsi>, %select_n3A_294, %reduce_min3A_295 [0] : vector<1024x256xi32> to vector<256xi32>
    %broadcast_in_dim3A_297 = vector.shape_cast %reduce_min3A_296 : vector<256xi32> to vector<1x256xi32>
    %lt3A_298 = arith.cmpf olt, %broadcast_in_dim3A_289, %select_n3A_268 : vector<1x256xf32>
    %select_n3A_299 = arith.select %lt3A_298, %broadcast_in_dim3A_297, %select_n3A_267 : vector<1x256xi1>, vector<1x256xi32>
    %select_n3A_300 = arith.select %lt3A_298, %broadcast_in_dim3A_289, %select_n3A_268 : vector<1x256xi1>, vector<1x256xf32>
    %get3A_301 = arith.constant 7168 : index
    %get3A_302 = arith.constant 0 : index
    %get3A_303 = vector.load %arg4[%get3A_301, %get3A_302] : memref<8192x256xf32, #tpu.memory_space<vmem>>, vector<1024x256xf32>
    %dot_general3A_304 = arith.constant dense<0.000000e+00> : vector<1024x256xf32>
    %dot_general3A_305 = tpu.matmul %get3A_303, %get3A_3, %dot_general3A_304 {dimension_numbers = #tpu.dot_dimension_numbers<[1], [0], [0], [1], [0, 0, 1, 1], [], []>, transpose_lhs_hint = false} : vector<1024x256xf32>, vector<256x256xf32>, vector<1024x256xf32> -> vector<1024x256xf32>
    %get3A_306 = arith.constant 7168 : index
    %get3A_307 = arith.constant 0 : index
    %get3A_308 = vector.load %arg3[%get3A_306, %get3A_307] : memref<8192x128xf32, #tpu.memory_space<vmem>>, vector<1024x1xf32>
    %add3A_309 = vector.broadcast %get3A_8 : vector<1x256xf32> to vector<1024x256xf32>
    %add3A_310 = vector.broadcast %get3A_308 : vector<1024x1xf32> to vector<1024x256xf32>
    %add3A_311 = arith.addf %add3A_309, %add3A_310 : vector<1024x256xf32>
    %mul3A_312 = arith.constant 2.000000e+00 : f32
    %mul3A_313 = vector.broadcast %mul3A_312 : f32 to vector<1024x256xf32>
    %mul3A_314 = arith.mulf %mul3A_313, %dot_general3A_305 : vector<1024x256xf32>
    %sub3A_315 = arith.subf %add3A_311, %mul3A_314 : vector<1024x256xf32>
    %add3A_316 = arith.constant 7168 : i32
    %add3A_317 = vector.broadcast %add3A_316 : i32 to vector<1024x256xi32>
    %add3A_318 = arith.addi %iota3A, %add3A_317 : vector<1024x256xi32>
    %reduce_min3A_319 = arith.constant dense<0x7F800000> : vector<256xf32>
    %reduce_min3A_320 = vector.multi_reduction <minimumf>, %sub3A_315, %reduce_min3A_319 [0] : vector<1024x256xf32> to vector<256xf32>
    %broadcast_in_dim3A_321 = vector.shape_cast %reduce_min3A_320 : vector<256xf32> to vector<1x256xf32>
    %eq3A_322 = vector.broadcast %broadcast_in_dim3A_321 : vector<1x256xf32> to vector<1024x256xf32>
    %eq3A_323 = arith.cmpf oeq, %sub3A_315, %eq3A_322 : vector<1024x256xf32>
    %jit3A_324 = arith.constant 1073741824 : i32
    %broadcast_in_dim3A_325 = vector.broadcast %jit3A_324 : i32 to vector<1024x256xi32>
    %select_n3A_326 = arith.select %eq3A_323, %add3A_318, %broadcast_in_dim3A_325 : vector<1024x256xi1>, vector<1024x256xi32>
    %reduce_min3A_327 = arith.constant dense<2147483647> : vector<256xi32>
    %reduce_min3A_328 = vector.multi_reduction <minsi>, %select_n3A_326, %reduce_min3A_327 [0] : vector<1024x256xi32> to vector<256xi32>
    %broadcast_in_dim3A_329 = vector.shape_cast %reduce_min3A_328 : vector<256xi32> to vector<1x256xi32>
    %lt3A_330 = arith.cmpf olt, %broadcast_in_dim3A_321, %select_n3A_300 : vector<1x256xf32>
    %select_n3A_331 = arith.select %lt3A_330, %broadcast_in_dim3A_329, %select_n3A_299 : vector<1x256xi1>, vector<1x256xi32>
    %select_n3A_332 = arith.select %lt3A_330, %broadcast_in_dim3A_321, %select_n3A_300 : vector<1x256xi1>, vector<1x256xf32>
    %convert_element_type3A = arith.truncf %select_n3A_114 : vector<1x256xf32> to vector<1x256xbf16>
    %convert_element_type3A_333 = arith.extf %convert_element_type3A : vector<1x256xbf16> to vector<1x256xf32>
    %lt3A_334 = arith.cmpf olt, %select_n3A_244, %convert_element_type3A_333 : vector<1x256xf32>
    %select_n3A_335 = arith.select %lt3A_334, %select_n3A_243, %select_n3A_113 : vector<1x256xi1>, vector<1x256xi32>
    %convert_element_type3A_336 = arith.truncf %select_n3A_244 : vector<1x256xf32> to vector<1x256xbf16>
    %convert_element_type3A_337 = arith.extf %convert_element_type3A_336 : vector<1x256xbf16> to vector<1x256xf32>
    %select_n3A_338 = arith.select %lt3A_334, %convert_element_type3A_337, %convert_element_type3A_333 : vector<1x256xi1>, vector<1x256xf32>
    %lt3A_339 = arith.cmpf olt, %select_n3A_332, %select_n3A_338 : vector<1x256xf32>
    %select_n3A_340 = arith.select %lt3A_339, %select_n3A_331, %select_n3A_335 : vector<1x256xi1>, vector<1x256xi32>
    %broadcast_in_dim3A_341 = vector.shape_cast %select_n3A_340 : vector<1x256xi32> to vector<1x1x256xi32>
    %swap3A = arith.constant 0 : index
    %swap3A_342 = arith.constant 0 : index
    %swap3A_343 = arith.constant 0 : index
    %swap3A_344 = vector.load %arg5[%swap3A, %swap3A_342, %swap3A_343] : memref<1x1x256xi32, #tpu.memory_space<vmem>>, vector<1x1x256xi32>
    tpu.vector_store %arg5[%swap3A, %swap3A_342, %swap3A_343], %broadcast_in_dim3A_341 {strides = array<i32>} : memref<1x1x256xi32, #tpu.memory_space<vmem>>, vector<1x1x256xi32>,
    return
  }
  func.func @transform_0(%arg0: i32) -> (i32, i32, i32) {
    %jit3A = arith.constant 32 : i32
    %div3A = arith.divsi %arg0, %jit3A : i32
    %sign3A = arith.constant 0 : i32
    %sign3A_0 = arith.cmpi sgt, %arg0, %sign3A : i32
    %sign3A_1 = arith.extui %sign3A_0 : i1 to i32
    %sign3A_2 = arith.constant 0 : i32
    %sign3A_3 = arith.cmpi slt, %arg0, %sign3A_2 : i32
    %sign3A_4 = arith.extui %sign3A_3 : i1 to i32
    %sign3A_5 = arith.subi %sign3A_1, %sign3A_4 : i32
    %sign3A_6 = arith.constant 0 : i32
    %sign3A_7 = arith.cmpi sgt, %jit3A, %sign3A_6 : i32
    %sign3A_8 = arith.extui %sign3A_7 : i1 to i32
    %sign3A_9 = arith.constant 0 : i32
    %sign3A_10 = arith.cmpi slt, %jit3A, %sign3A_9 : i32
    %sign3A_11 = arith.extui %sign3A_10 : i1 to i32
    %sign3A_12 = arith.subi %sign3A_8, %sign3A_11 : i32
    %ne3A = arith.cmpi ne, %sign3A_5, %sign3A_12 : i32
    %rem3A = arith.remsi %arg0, %jit3A : i32
    %ne3A_13 = arith.constant 0 : i32
    %ne3A_14 = arith.cmpi ne, %rem3A, %ne3A_13 : i32
    %and3A = arith.andi %ne3A, %ne3A_14 : i1
    %sub3A = arith.constant 1 : i32
    %sub3A_15 = arith.subi %div3A, %sub3A : i32
    %select_n3A = arith.select %and3A, %sub3A_15, %div3A : i32
    %jit3A_16 = arith.constant 32 : i32
    %eq3A = arith.constant 0 : i32
    %eq3A_17 = arith.cmpi eq, %jit3A_16, %eq3A : i32
    %jit3A_18 = arith.constant 1 : i32
    %select_n3A_19 = arith.select %eq3A_17, %jit3A_18, %jit3A_16 : i32
    %rem3A_20 = arith.remsi %arg0, %select_n3A_19 : i32
    %ne3A_21 = arith.constant 0 : i32
    %ne3A_22 = arith.cmpi ne, %rem3A_20, %ne3A_21 : i32
    %lt3A = arith.constant 0 : i32
    %lt3A_23 = arith.cmpi slt, %rem3A_20, %lt3A : i32
    %lt3A_24 = arith.constant 0 : i32
    %lt3A_25 = arith.cmpi slt, %select_n3A_19, %lt3A_24 : i32
    %ne3A_26 = arith.xori %lt3A_23, %lt3A_25 : i1
    %and3A_27 = arith.andi %ne3A_26, %ne3A_22 : i1
    %add3A = arith.addi %rem3A_20, %select_n3A_19 : i32
    %select_n3A_28 = arith.select %and3A_27, %add3A, %rem3A_20 : i32
    %c0_i32 = arith.constant 0 : i32
    %c0_i32_29 = arith.constant 0 : i32
    return %select_n3A, %c0_i32, %select_n3A_28 : i32, i32, i32
  }
  func.func @transform_1(%arg0: i32) -> (i32, i32, i32) {
    %jit3A = arith.constant 32 : i32
    %div3A = arith.divsi %arg0, %jit3A : i32
    %sign3A = arith.constant 0 : i32
    %sign3A_0 = arith.cmpi sgt, %arg0, %sign3A : i32
    %sign3A_1 = arith.extui %sign3A_0 : i1 to i32
    %sign3A_2 = arith.constant 0 : i32
    %sign3A_3 = arith.cmpi slt, %arg0, %sign3A_2 : i32
    %sign3A_4 = arith.extui %sign3A_3 : i1 to i32
    %sign3A_5 = arith.subi %sign3A_1, %sign3A_4 : i32
    %sign3A_6 = arith.constant 0 : i32
    %sign3A_7 = arith.cmpi sgt, %jit3A, %sign3A_6 : i32
    %sign3A_8 = arith.extui %sign3A_7 : i1 to i32
    %sign3A_9 = arith.constant 0 : i32
    %sign3A_10 = arith.cmpi slt, %jit3A, %sign3A_9 : i32
    %sign3A_11 = arith.extui %sign3A_10 : i1 to i32
    %sign3A_12 = arith.subi %sign3A_8, %sign3A_11 : i32
    %ne3A = arith.cmpi ne, %sign3A_5, %sign3A_12 : i32
    %rem3A = arith.remsi %arg0, %jit3A : i32
    %ne3A_13 = arith.constant 0 : i32
    %ne3A_14 = arith.cmpi ne, %rem3A, %ne3A_13 : i32
    %and3A = arith.andi %ne3A, %ne3A_14 : i1
    %sub3A = arith.constant 1 : i32
    %sub3A_15 = arith.subi %div3A, %sub3A : i32
    %select_n3A = arith.select %and3A, %sub3A_15, %div3A : i32
    %jit3A_16 = arith.constant 32 : i32
    %eq3A = arith.constant 0 : i32
    %eq3A_17 = arith.cmpi eq, %jit3A_16, %eq3A : i32
    %jit3A_18 = arith.constant 1 : i32
    %select_n3A_19 = arith.select %eq3A_17, %jit3A_18, %jit3A_16 : i32
    %rem3A_20 = arith.remsi %arg0, %select_n3A_19 : i32
    %ne3A_21 = arith.constant 0 : i32
    %ne3A_22 = arith.cmpi ne, %rem3A_20, %ne3A_21 : i32
    %lt3A = arith.constant 0 : i32
    %lt3A_23 = arith.cmpi slt, %rem3A_20, %lt3A : i32
    %lt3A_24 = arith.constant 0 : i32
    %lt3A_25 = arith.cmpi slt, %select_n3A_19, %lt3A_24 : i32
    %ne3A_26 = arith.xori %lt3A_23, %lt3A_25 : i1
    %and3A_27 = arith.andi %ne3A_26, %ne3A_22 : i1
    %add3A = arith.addi %rem3A_20, %select_n3A_19 : i32
    %select_n3A_28 = arith.select %and3A_27, %add3A, %rem3A_20 : i32
    %c0_i32 = arith.constant 0 : i32
    %c0_i32_29 = arith.constant 0 : i32
    return %select_n3A, %c0_i32, %select_n3A_28 : i32, i32, i32
  }
  func.func @transform_2(%arg0: i32) -> (i32, i32) {
    %c0_i32 = arith.constant 0 : i32
    %c0_i32_0 = arith.constant 0 : i32
    %c0_i32_1 = arith.constant 0 : i32
    return %c0_i32, %c0_i32_0 : i32, i32
  }
  func.func @transform_3(%arg0: i32) -> (i32, i32) {
    %c0_i32 = arith.constant 0 : i32
    %c0_i32_0 = arith.constant 0 : i32
    %c0_i32_1 = arith.constant 0 : i32
    return %c0_i32, %c0_i32_0 : i32, i32
  }
  func.func @transform_4(%arg0: i32) -> (i32, i32, i32) {
    %c0_i32 = arith.constant 0 : i32
    %c0_i32_0 = arith.constant 0 : i32
    %c0_i32_1 = arith.constant 0 : i32
    return %arg0, %c0_i32, %c0_i32_0 : i32, i32, i32
  }
}

module attributes {stable_mosaic.version = 14 : i64} {
  func.func @_combine_body(%arg0: i32, %arg1: memref<512x256xf32, #tpu.memory_space<vmem>>, %arg2: memref<1x256x512xf32, #tpu.memory_space<vmem>>, %arg3: memref<1x256x512xf32, #tpu.memory_space<vmem>>, %arg4: memref<1x1xf32, #tpu.memory_space<smem>>) attributes {dimension_semantics = [#tpu.dimension_semantics<arbitrary>], iteration_bounds = array<i64: 64>, scalar_prefetch = 0 : i64, scratch_operands = 0 : i64, tpu.core_type = #tpu.core_type<tc>, window_params = [{transform_indices = @transform_0, window_bounds = array<i64: 512, 256>}, {transform_indices = @transform_1, window_bounds = array<i64: 1, 256, 512>}, {transform_indices = @transform_2, window_bounds = array<i64: 1, 256, 512>}, {transform_indices = @transform_3, window_bounds = array<i64: 1, 1>}]} {
    %get3A = arith.constant 0 : index
    %get3A_0 = arith.constant 0 : index
    %get3A_1 = vector.load %arg1[%get3A, %get3A_0] : memref<512x256xf32, #tpu.memory_space<vmem>>, vector<512x256xf32>
    %transpose3A = tpu.transpose %get3A_1, [1, 0] : vector<512x256xf32> -> vector<256x512xf32>
    %get3A_2 = arith.constant 0 : index
    %get3A_3 = arith.constant 0 : index
    %get3A_4 = arith.constant 0 : index
    %get3A_5 = vector.load %arg2[%get3A_2, %get3A_3, %get3A_4] : memref<1x256x512xf32, #tpu.memory_space<vmem>>, vector<1x256x512xf32>
    %get3A_6 = vector.shape_cast %get3A_5 : vector<1x256x512xf32> to vector<256x512xf32>
    %sub3A = arith.subf %transpose3A, %get3A_6 : vector<256x512xf32>
    %add3A = arith.addf %get3A_6, %sub3A : vector<256x512xf32>
    %broadcast_in_dim3A = vector.shape_cast %add3A : vector<256x512xf32> to vector<1x256x512xf32>
    %swap3A = arith.constant 0 : index
    %swap3A_7 = arith.constant 0 : index
    %swap3A_8 = arith.constant 0 : index
    %swap3A_9 = vector.load %arg3[%swap3A, %swap3A_7, %swap3A_8] : memref<1x256x512xf32, #tpu.memory_space<vmem>>, vector<1x256x512xf32>
    tpu.vector_store %arg3[%swap3A, %swap3A_7, %swap3A_8], %broadcast_in_dim3A {strides = array<i32>} : memref<1x256x512xf32, #tpu.memory_space<vmem>>, vector<1x256x512xf32>,
    %eq3A = arith.constant 0 : i32
    %eq3A_10 = arith.cmpi eq, %arg0, %eq3A : i32
    %convert_element_type3A = arith.extui %eq3A_10 : i1 to i32
    %cond3A = arith.constant 0 : i32
    %cond3A_11 = arith.cmpi ne, %convert_element_type3A, %cond3A : i32
    scf.if %cond3A_11 {
      %swap3A_23 = arith.constant 0.000000e+00 : f32
      %swap3A_24 = arith.constant 0 : index
      %swap3A_25 = arith.constant 0 : index
      %swap3A_26 = memref.load %arg4[%swap3A_24, %swap3A_25] : memref<1x1xf32, #tpu.memory_space<smem>>
      memref.store %swap3A_23, %arg4[%swap3A_24, %swap3A_25] : memref<1x1xf32, #tpu.memory_space<smem>>
    } else {
    }
    %get3A_12 = arith.constant 0 : index
    %get3A_13 = arith.constant 0 : index
    %get3A_14 = memref.load %arg4[%get3A_12, %get3A_13] : memref<1x1xf32, #tpu.memory_space<smem>>
    %mul3A = arith.mulf %sub3A, %sub3A : vector<256x512xf32>
    %reduce_sum3A = vector.shape_cast %mul3A : vector<256x512xf32> to vector<1x256x512xf32>
    %reduce_sum3A_15 = arith.constant dense<0.000000e+00> : vector<1xf32>
    %reduce_sum3A_16 = vector.multi_reduction <add>, %reduce_sum3A, %reduce_sum3A_15 [1, 2] : vector<1x256x512xf32> to vector<1xf32>
    %reduce_sum3A_17 = vector.shape_cast %reduce_sum3A_16 : vector<1xf32> to vector<1x1x1xf32>
    %reduce_sum3A_18 = vector.extract %reduce_sum3A_17[0, 0, 0] : f32 from vector<1x1x1xf32>
    %add3A_19 = arith.addf %get3A_14, %reduce_sum3A_18 : f32
    %swap3A_20 = arith.constant 0 : index
    %swap3A_21 = arith.constant 0 : index
    %swap3A_22 = memref.load %arg4[%swap3A_20, %swap3A_21] : memref<1x1xf32, #tpu.memory_space<smem>>
    memref.store %add3A_19, %arg4[%swap3A_20, %swap3A_21] : memref<1x1xf32, #tpu.memory_space<smem>>
    return
  }
  func.func @transform_0(%arg0: i32) -> (i32, i32) {
    %c0_i32 = arith.constant 0 : i32
    %c0_i32_0 = arith.constant 0 : i32
    return %arg0, %c0_i32 : i32, i32
  }
  func.func @transform_1(%arg0: i32) -> (i32, i32, i32) {
    %jit3A = arith.constant 16 : i32
    %div3A = arith.divsi %arg0, %jit3A : i32
    %sign3A = arith.constant 0 : i32
    %sign3A_0 = arith.cmpi sgt, %arg0, %sign3A : i32
    %sign3A_1 = arith.extui %sign3A_0 : i1 to i32
    %sign3A_2 = arith.constant 0 : i32
    %sign3A_3 = arith.cmpi slt, %arg0, %sign3A_2 : i32
    %sign3A_4 = arith.extui %sign3A_3 : i1 to i32
    %sign3A_5 = arith.subi %sign3A_1, %sign3A_4 : i32
    %sign3A_6 = arith.constant 0 : i32
    %sign3A_7 = arith.cmpi sgt, %jit3A, %sign3A_6 : i32
    %sign3A_8 = arith.extui %sign3A_7 : i1 to i32
    %sign3A_9 = arith.constant 0 : i32
    %sign3A_10 = arith.cmpi slt, %jit3A, %sign3A_9 : i32
    %sign3A_11 = arith.extui %sign3A_10 : i1 to i32
    %sign3A_12 = arith.subi %sign3A_8, %sign3A_11 : i32
    %ne3A = arith.cmpi ne, %sign3A_5, %sign3A_12 : i32
    %rem3A = arith.remsi %arg0, %jit3A : i32
    %ne3A_13 = arith.constant 0 : i32
    %ne3A_14 = arith.cmpi ne, %rem3A, %ne3A_13 : i32
    %and3A = arith.andi %ne3A, %ne3A_14 : i1
    %sub3A = arith.constant 1 : i32
    %sub3A_15 = arith.subi %div3A, %sub3A : i32
    %select_n3A = arith.select %and3A, %sub3A_15, %div3A : i32
    %jit3A_16 = arith.constant 16 : i32
    %eq3A = arith.constant 0 : i32
    %eq3A_17 = arith.cmpi eq, %jit3A_16, %eq3A : i32
    %jit3A_18 = arith.constant 1 : i32
    %select_n3A_19 = arith.select %eq3A_17, %jit3A_18, %jit3A_16 : i32
    %rem3A_20 = arith.remsi %arg0, %select_n3A_19 : i32
    %ne3A_21 = arith.constant 0 : i32
    %ne3A_22 = arith.cmpi ne, %rem3A_20, %ne3A_21 : i32
    %lt3A = arith.constant 0 : i32
    %lt3A_23 = arith.cmpi slt, %rem3A_20, %lt3A : i32
    %lt3A_24 = arith.constant 0 : i32
    %lt3A_25 = arith.cmpi slt, %select_n3A_19, %lt3A_24 : i32
    %ne3A_26 = arith.xori %lt3A_23, %lt3A_25 : i1
    %and3A_27 = arith.andi %ne3A_26, %ne3A_22 : i1
    %add3A = arith.addi %rem3A_20, %select_n3A_19 : i32
    %select_n3A_28 = arith.select %and3A_27, %add3A, %rem3A_20 : i32
    %c0_i32 = arith.constant 0 : i32
    %c0_i32_29 = arith.constant 0 : i32
    return %select_n3A, %c0_i32, %select_n3A_28 : i32, i32, i32
  }
  func.func @transform_2(%arg0: i32) -> (i32, i32, i32) {
    %jit3A = arith.constant 16 : i32
    %div3A = arith.divsi %arg0, %jit3A : i32
    %sign3A = arith.constant 0 : i32
    %sign3A_0 = arith.cmpi sgt, %arg0, %sign3A : i32
    %sign3A_1 = arith.extui %sign3A_0 : i1 to i32
    %sign3A_2 = arith.constant 0 : i32
    %sign3A_3 = arith.cmpi slt, %arg0, %sign3A_2 : i32
    %sign3A_4 = arith.extui %sign3A_3 : i1 to i32
    %sign3A_5 = arith.subi %sign3A_1, %sign3A_4 : i32
    %sign3A_6 = arith.constant 0 : i32
    %sign3A_7 = arith.cmpi sgt, %jit3A, %sign3A_6 : i32
    %sign3A_8 = arith.extui %sign3A_7 : i1 to i32
    %sign3A_9 = arith.constant 0 : i32
    %sign3A_10 = arith.cmpi slt, %jit3A, %sign3A_9 : i32
    %sign3A_11 = arith.extui %sign3A_10 : i1 to i32
    %sign3A_12 = arith.subi %sign3A_8, %sign3A_11 : i32
    %ne3A = arith.cmpi ne, %sign3A_5, %sign3A_12 : i32
    %rem3A = arith.remsi %arg0, %jit3A : i32
    %ne3A_13 = arith.constant 0 : i32
    %ne3A_14 = arith.cmpi ne, %rem3A, %ne3A_13 : i32
    %and3A = arith.andi %ne3A, %ne3A_14 : i1
    %sub3A = arith.constant 1 : i32
    %sub3A_15 = arith.subi %div3A, %sub3A : i32
    %select_n3A = arith.select %and3A, %sub3A_15, %div3A : i32
    %jit3A_16 = arith.constant 16 : i32
    %eq3A = arith.constant 0 : i32
    %eq3A_17 = arith.cmpi eq, %jit3A_16, %eq3A : i32
    %jit3A_18 = arith.constant 1 : i32
    %select_n3A_19 = arith.select %eq3A_17, %jit3A_18, %jit3A_16 : i32
    %rem3A_20 = arith.remsi %arg0, %select_n3A_19 : i32
    %ne3A_21 = arith.constant 0 : i32
    %ne3A_22 = arith.cmpi ne, %rem3A_20, %ne3A_21 : i32
    %lt3A = arith.constant 0 : i32
    %lt3A_23 = arith.cmpi slt, %rem3A_20, %lt3A : i32
    %lt3A_24 = arith.constant 0 : i32
    %lt3A_25 = arith.cmpi slt, %select_n3A_19, %lt3A_24 : i32
    %ne3A_26 = arith.xori %lt3A_23, %lt3A_25 : i1
    %and3A_27 = arith.andi %ne3A_26, %ne3A_22 : i1
    %add3A = arith.addi %rem3A_20, %select_n3A_19 : i32
    %select_n3A_28 = arith.select %and3A_27, %add3A, %rem3A_20 : i32
    %c0_i32 = arith.constant 0 : i32
    %c0_i32_29 = arith.constant 0 : i32
    return %select_n3A, %c0_i32, %select_n3A_28 : i32, i32, i32
  }
  func.func @transform_3(%arg0: i32) -> (i32, i32) {
    %c0_i32 = arith.constant 0 : i32
    %c0_i32_0 = arith.constant 0 : i32
    %c0_i32_1 = arith.constant 0 : i32
    return %c0_i32, %c0_i32_0 : i32, i32
  }
}

</mosaic_0001>

<sc_bundles>
// kernel: kernel.5.cloned.1.call-start
scs
__scs_entry_jumppad:
0x0: {  	(pc) =	sbr.rel $0x88, $3  }
0x1: {  	(tag) =	ssettag $0x0;
	lr =	simm.s32 $0x1  }
0x2: {  	[smem:$0x3F9F] =	sst lr;
	_ =	strace $0xD0000000  }
0x3: {  	_ = 	snop  }
0x4: {  	_ = 	snop  }
0x5: {  	_ = 	snop  }
0x6: {  	_ = 	snop  }
0x7: {  	_ = 	snop  }
__scs_overlays_trampoline_lowered:
0x8: {  	[smem:$0x3FAE] =	sst s0  }
0x9: {  	[smem:$0x3FAF] =	sst s1  }
0xa: {  	[smem:$0x3FB0] =	sst s2  }
0xb: {  	[smem:$0x3FB1] =	sst s3  }
0xc: {  	[smem:$0x3FB2] =	sst s4  }
0xd: {  	[smem:$0x3FB3] =	sst s5  }
0xe: {  	[smem:$0x3FB4] =	sst s6  }
0xf: {  	[smem:$0x3FB5] =	sst s7  }
0x10: {  	[smem:$0x3FB6] =	sst s8  }
0x11: {  	[smem:$0x3FB7] =	sst s9;
	s0 =	simm.s32 @!p0 $0x0  }
0x12: {  	s1 =	sld [smem:$0x3F9D];
	s0 =	simm.s32 @p0 $0x1  }
0x13: {  	[smem:$0x3FB8] =	sst s0;
	s0 =	simm.s32 @!p1 $0x0  }
0x14: {  	s2 =	sld [smem:$0x3F9C];
	s0 =	simm.s32 @p1 $0x1  }
0x15: {  	[smem:$0x3FB9] =	sst s0;
	s0 =	simm.s32 @!p2 $0x0  }
0x16: {  	s3 =	sld [smem:$0x3FDB];
	s0 =	simm.s32 @p2 $0x1  }
0x17: {  	s4 =	simm.s32 $0x1BF5;
	[smem:$0x3FBB] =	sst s0  }
0x18: {  	s0 =	sld [smem:$0x3F9E];
	_ =	swait.ge [sflag:s4], $0x0  }
0x19: {  	s7 =	sld [smem:$0x3F9F]  }
0x1a: {  	s8 =	sadd.s32 $0xFFFFE003, lr  }
0x1b: {  	s9 =	sadd.s32 $0xFFFFFEF7, lr;
	s5 =	simm.s32 $0xFFFFFFFF;
	p2 =	slt.u32 s8, $0xFFFFF086  }
0x1c: {  	p1 =	slt.u32 s9, $0xF7A;
	s5 =	simm.s32 @!p2 $0x0  }
0x1d: {  	s5 =	simm.s32 @p1 $0x1;
	p0 =	seq.s32 s7, s2  }
0x1e: {  	s7 =	smul.u32 @!p0 $0xF7A, s2;
	p2 =	seq.s32 @!p0 s5, $0x0  }
0x1f: {  	s9 =	smul.u32 $0xF7A, s1;
	s8 =	simm.s32 @!p0 $0x1BF5;
	p2 =	por !p2, p0  }
0x20: {  	[sflag:s8] =	ssyncset.s32 @!p0 $0xFFFFF086;
	s6 =	sadd.s32 @!p0 s3, s7;
	s7 =	simm.s32 @!p0 $0x108  }
0x21: {  	s3 =	sadd.s32 s3, s9;
	s6 =	sadd.s32 @!p0 $0x88, s6;
	s7 =	simm.s32 @p2 $0x1082  }
0x22: {  	[simem:s7], [sflag:s8] =	dma.local @!p0 [hbm:s6], $0xF7A  }
0x23: {  	s9 =	sor.u32 $0xD0000000, s2;
	s6 =	simm.s32 $0x108;
	_ =	swait.ge @!p0 [sflag:s8], $0x0  }
0x24: {  	s3 =	sadd.s32 $0x88, s3;
	s6 =	simm.s32 @!p1 $0x1082;
	[sflag:s4] =	ssyncset.s32 $0xFFFFF086  }
0x25: {  	[simem:s6], [sflag:s4] =	dma.local [hbm:s3], $0xF7A  }
0x26: {  	[smem:$0x3F9F] =	sst s1;
	(tag) =	ssettag s2;
	_ =	strace s9  }
0x27: {  	s1 =	sld [smem:$0x3FAF]  }
0x28: {  	s2 =	sld [smem:$0x3FB0]  }
0x29: {  	s4 =	sld [smem:$0x3FB2]  }
0x2a: {  	p0 =	seq.s32 s5, $0x0;
	s5 =	sld [smem:$0x3FB3]  }
0x2b: {  	s6 =	sld [smem:$0x3FB4]  }
0x2c: {  	s7 =	sld [smem:$0x3FB5]  }
0x2d: {  	s3 =	simm.s32 $0x108;
	s8 =	sld [smem:$0x3FB6]  }
0x2e: {  	s3 =	simm.s32 @!p0 $0x1082;
	s9 =	sld [smem:$0x3FB7]  }
0x2f: {  	lr =	sadd.s32 s0, s3;
	s0 =	sld [smem:$0x3FAE]  }
0x30: {  	s3 =	sld [smem:$0x3FB1]  }
0x31: {  	[smem:$0x3FBA] =	sst s10  }
0x32: {  	s10 =	sld [smem:$0x3FB8];
	_ =	sdelay $0x3  }
0x33: {  	p0 =	seq.s32 s10, $0x1;
	s10 =	sld [smem:$0x3FBA];
	_ =	sdelay $0x3  }
0x34: {  	[smem:$0x3FBA] =	sst s10  }
0x35: {  	s10 =	sld [smem:$0x3FB9];
	_ =	sdelay $0x3  }
0x36: {  	p1 =	seq.s32 s10, $0x1;
	s10 =	sld [smem:$0x3FBA];
	_ =	sdelay $0x3  }
0x37: {  	[smem:$0x3FBA] =	sst s10  }
0x38: {  	s10 =	sld [smem:$0x3FBB]  }
0x39: {  	_ = 	snop;
	(pc) =	sbr.ind lr, $3  }
0x3a: {  	_ = 	snop  }
0x3b: {  	_ = 	snop  }
0x3c: {  	p2 =	seq.s32 s10, $0x1;
	s10 =	sld [smem:$0x3FBA]  }
0x3d: {  	_ =	shalt  }
0x3e: {  	_ =	shalt  }
0x3f: {  	_ =	shalt  }
0x40: {  	_ =	shalt  }
0x41: {  	_ =	shalt  }
0x42: {  	_ =	shalt  }
0x43: {  	_ =	shalt  }
0x44: {  	_ =	shalt  }
0x45: {  	_ =	shalt  }
0x46: {  	_ =	shalt  }
0x47: {  	_ =	shalt  }
0x48: {  	_ =	shalt  }
0x49: {  	_ =	shalt  }
0x4a: {  	_ =	shalt  }
0x4b: {  	_ =	shalt  }
0x4c: {  	_ =	shalt  }
0x4d: {  	_ =	shalt  }
0x4e: {  	_ =	shalt  }
0x4f: {  	_ =	shalt  }
0x50: {  	_ =	shalt  }
0x51: {  	_ =	shalt  }
0x52: {  	_ =	shalt  }
0x53: {  	_ =	shalt  }
0x54: {  	_ =	shalt  }
0x55: {  	_ =	shalt  }
0x56: {  	_ =	shalt  }
0x57: {  	_ =	shalt  }
0x58: {  	_ =	shalt  }
0x59: {  	_ =	shalt  }
0x5a: {  	_ =	shalt  }
0x5b: {  	_ =	shalt  }
0x5c: {  	_ =	shalt  }
0x5d: {  	_ =	shalt  }
0x5e: {  	_ =	shalt  }
0x5f: {  	_ =	shalt  }
0x60: {  	_ =	shalt  }
0x61: {  	_ =	shalt  }
0x62: {  	_ =	shalt  }
0x63: {  	_ =	shalt  }
0x64: {  	_ =	shalt  }
0x65: {  	_ =	shalt  }
0x66: {  	_ =	shalt  }
0x67: {  	_ =	shalt  }
0x68: {  	_ =	shalt  }
0x69: {  	_ =	shalt  }
0x6a: {  	_ =	shalt  }
0x6b: {  	_ =	shalt  }
0x6c: {  	_ =	shalt  }
0x6d: {  	_ =	shalt  }
0x6e: {  	_ =	shalt  }
0x6f: {  	_ =	shalt  }
0x70: {  	_ =	shalt  }
0x71: {  	_ =	shalt  }
0x72: {  	_ =	shalt  }
0x73: {  	_ =	shalt  }
0x74: {  	_ =	shalt  }
0x75: {  	_ =	shalt  }
0x76: {  	_ =	shalt  }
0x77: {  	_ =	shalt  }
0x78: {  	_ =	shalt  }
0x79: {  	_ =	shalt  }
0x7a: {  	_ =	shalt  }
0x7b: {  	_ =	shalt  }
0x7c: {  	_ =	shalt  }
0x7d: {  	_ =	shalt  }
0x7e: {  	_ =	shalt  }
0x7f: {  	_ =	shalt  }
0x80: {  	_ =	shalt  }
0x81: {  	_ =	shalt  }
0x82: {  	_ =	shalt  }
0x83: {  	_ =	shalt  }
0x84: {  	_ =	shalt  }
0x85: {  	_ =	shalt  }
0x86: {  	_ =	shalt  }
0x87: {  	_ =	shalt  }
.Lfunc_end0:
.L_simem_size_0:
called_computation_lowered:
.L_overlay_start_0:
0x88: {  	s2 =	sld [smem:$0x3FD9]  }
0x89: {  	s3 =	sld [smem:$0x3FFE];
	_ =	sdelay $0x1  }
0x8a: {  	s1 =	srdreg.scid  }
0x8b: {  	s0 =	sand.u32 $0x1, s1  }
0x8c: {  	s14 =	sshll.u32 s0, $0xA;
	s2 =	sadd.s32 s3, s2  }
0x8d: {  	s2 =	sadd.s32 s2, s14  }
0x8e: {  	[smem:$0x3FC6] =	sst s2  }
0x8f: {  	_ = 	snop  }
0x90: {  	s2 =	sld [smem:$0x3FD0];
	_ =	sdelay $0x2  }
0x91: {  	s4 =	simm.s32 $0xA;
	s5 =	simm.s32 $0x10;
	s15 =	sld [smem:$0x3FC8]  }
0x92: {  	[smem:s5], [sflag:s4] =	dma.local [hbm:s2], $0x1  }
0x93: {  	_ =	swait.eq [sflag:s4], $0x1  }
0x94: {  	[sflag:s4] =	ssyncset.done $0x0  }
0x95: {  	[sflag:s4] =	ssyncadd.s32 $0xFFFFFFFF  }
0x96: {  	s16 =	sld [smem:$0x12];
	(tm) =	ssettm $0x1  }
0x97: {  	s17 =	sld [smem:$0x3FFB];
	_ =	sdelay $0x3  }
0x98: {  	_ =	strace s17  }
0x99: {  	s4 =	sld [smem:$0x3FFC];
	_ =	sdelay $0x3  }
0x9a: {  	_ =	strace s4  }
0x9b: {  	s4 =	sld [smem:$0x3FFD];
	_ =	sdelay $0x3  }
0x9c: {  	_ =	strace s4  }
0x9d: {  	_ =	strace $0x8FFFFFFF  }
0x9e: {  	s18 =	sld [smem:$0x3FDB];
	_ =	sdelay $0x1  }
0x9f: {  	s19 =	simm.s32 $_scs_section_size  }
0xa0: {  	s6 =	simm.s32 $_size__tile_overlayer_lowered;
	s7 =	simm.s32 $_tile_overlayer_lowered  }
0xa1: {  	s22 =	simm.s32 $0x1BFF;
	s21 =	sshll.u32 s7, $0x1;
	s4 =	sadd.s32 s19, s18  }
0xa2: {  	s8 =	simm.s32 $0x0;
	s20 =	sshll.u32 s6, $0x1;
	s6 =	sadd.s32 s21, s4  }
0xa3: {  	[timem:s8], [sflag:s22] =	dma.local [hbm:s6], s20  }
0xa4: {  	_ =	swait.ge [sflag:s22], s20  }
0xa5: {  	s5 =	ssub.s32 $0x0, s20;
	[sflag:s22] =	ssyncset.done $0x0  }
0xa6: {  	[sflag:s22] =	ssyncadd.s32 s5;
	_ =	sdelay $0x1  }
0xa7: {  	s23 =	simm.s32 $0x1B8B  }
0xa8: {  	_ =	swait.ge [sflag:s23], $0x1  }
0xa9: {  	[sflag:s23] =	ssyncset.done $0x0  }
0xaa: {  	s25 =	simm.s32 $0x1B8E;
	s24 =	sld [smem:$0x3FFE];
	[sflag:s23] =	ssyncadd.s32 $0xFFFFFFFF  }
0xab: {  	s26 =	simm.s32 $execute0_lowered;
	[smem:$0x3FD2] =	sst s25  }
0xac: {  	s6 =	sshll.u32 s26, $0x1;
	_ =	strace $0x80000046;
	[dreg:$0x1] =	wrdreg $0xFFFFFFFF  }
0xad: {  	s28 =	simm.s32 $_size_execute0_lowered;
	s4 =	sadd.s32 s4, s6;
	[dreg:$0x0] =	wrdreg $0x0  }
0xae: {  	s6 =	sshll.u32 s28, $0x1;
	[dreg:$0x2] =	wrdreg s4  }
0xaf: {  	[dreg:$0x3] =	wrdreg s6  }
0xb0: {  	[dreg:$0x4] =	wrdreg $0xC0  }
0xb1: {  	_ =	task [dreg:s8], $0x5FFFF  }
0xb2: {  	[dreg:$0x1] =	wrdreg $0xFFFFFFFF  }
0xb3: {  	[dreg:$0x0] =	wrdreg $0x60  }
0xb4: {  	[dreg:$0x2] =	wrdreg s15  }
0xb5: {  	[dreg:$0x3] =	wrdreg s16  }
0xb6: {  	[dreg:$0x4] =	wrdreg s24  }
0xb7: {  	[dreg:$0x5] =	wrdreg $0x9  }
0xb8: {  	_ =	task.clear_ibuf [dreg:s8], $0x6FFFF;
	_ =	strace $0x90000046  }
0xb9: {  	s29 =	simm.s32 $0x9;
	_ =	strace $0x80000048  }
0xba: {  	_ =	swait.ge [sflag:s29], $0x1  }
0xbb: {  	[sflag:s29] =	ssyncadd.s32 $0xFFFFFFFF  }
0xbc: {  	_ =	strace $0x90000048  }
0xbd: {  	_ =	sfence  }
0xbe: {  	s30 =	sld [smem:$0x0];
	_ =	sdelay $0x2  }
0xbf: {  	s31 =	sshll.u32 s1, $0xD;
	s1 =	sshrl.u32 s1, $0x2  }
0xc0: {  	s3 =	sand.u32 $0x4000, s31;
	s1 =	sadd.s32 s1, s30  }
0xc1: {  	s0 =	sor.u32 s3, s0;
	s1 =	sshll.u32 s1, $0x11  }
0xc2: {  	s0 =	sor.u32 s1, s0  }
0xc3: {  	s0 =	sadd.s32 $0x8F2B, s0  }
0xc4: {  	[sflag:s0] =	ssyncadd.remote.s32 $0x1  }
0xc5: {  	_ =	sfence.sel $0xFFFF  }
0xc6: {  	[dreg:$0x0] =	wrdreg $0xFFFFFFFF;
	(pc) =	sbr.abs _section_cstart, $3  }
0xc7: {  	[dreg:$0x1] =	wrdreg $0xFFFFFFFF  }
0xc8: {  	_ =	task.clear_ibuf [dreg:s8], $0x2FFFF;
	_ =	strace $0x9FFFFFFF  }
0xc9: {  	(tm) =	ssettm $0x7FFFFFFF  }
tec
execute0_lowered:
.L_overlay_start_1:
0x0: {  	(tag) =	ssettag $0x1  }
0x1: {  	s1 =	rddreg [dreg:$0x0]  }
0x2: {  	s2 =	srdreg.scid;
	s3 =	stileid.u32  }
0x3: {  	s0 =	rddreg [dreg:$0x1];
	s2 =	sand.u32 $0x1, s2;
	s5 =	sshll.u32 s3, $0x1  }
0x4: {  	s4 =	rddreg [dreg:$0x2];
	s5 =	sor.u32 s2, s5  }
0x5: {  	s3 =	simm.s32 $0x0;
	s6 =	sshll.u32 s5, $0xF;
	s5 =	sshll.u32 s5, $0x7  }
0x6: {  	[smem:$0x7FF] =	sst s3;
	s4 =	sadd.s32 s6, s4;
	s0 =	sadd.s32 s0, s5  }
0x7: {  	_ =	strace $0x80000047;
	[dreg:$0x4] =	wrdreg s0;
	s21 =	sadd.s32 $0x400, s4  }
0x8: {  	s29 =	simm.s32 $0x400;
	s22 =	sadd.s32 $0x1400, s4;
	[dreg:$0x5] =	wrdreg s21  }
0x9: {  	s13 =	simm.s32 $0x2;
	s23 =	sadd.s32 $0x2400, s4;
	[dreg:$0x6] =	wrdreg s22  }
0xa: {  	s2 =	ssub.s32 $0x2, s2;
	s24 =	sadd.s32 $0x3400, s4;
	[dreg:$0x7] =	wrdreg s23  }
0xb: {  	s30 =	sshrl.u32 s2, $0x1;
	s25 =	sadd.s32 $0x4400, s4;
	[dreg:$0x8] =	wrdreg s24  }
0xc: {  	s2 =	ssub.s32 s2, s30;
	s26 =	sadd.s32 $0x5400, s4;
	[dreg:$0x9] =	wrdreg s25  }
0xd: {  	v2 =	vlaneseq.u32;
	s5 =	simm.s32 $0x3;
	s28 =	sadd.s32 $0x6400, s4;
	[dreg:$0xa] =	wrdreg s26  }
0xe: {  	vm0 =	vmmov $0xffff;
	v1 =	vshrl.u32 v2, $0x3;
	s31 =	sadd.s32 $0x7400, s4;
	s4 =	smax.u32 s2, $0x1;
	[dreg:$0xb] =	wrdreg s28  }
0xf: {  	v0 =	vand.u32 $0x7, v2;
	v2 =	vor.u32 $0x8, v2;
	v1 =	vmul.u32 $0x8, v1;
	[dreg:$0xc] =	wrdreg s31;
	s22 =	simm.s32 $0x1;
	s23 =	simm.s32 $0x8400  }
.LBB2_1:
0x10: {  	s14 =	rddreg [dreg:$0x4]  }
0x11: {  	[tilespmem:s3], [sflag:$0x3] =	stream.linear.gather [hbm4b:s14+s3], $0x400, $0x38;
	[tilespmem:$0x10400] =	vst v63  }
0x12: {  	_ =	swait.ge [sflag:s5], $0x400  }
0x13: {  	[sflag:s5] =	ssyncset.done $0x0  }
0x14: {  	[sflag:s5] =	ssyncadd.s32 $0xFFFFFC00  }
0x15: {  	v3 =	vld [tilespmem:$0x0];
	_ =	sdelay $0x4  }
0x16: {  	v4 =	vshll.u32 v3, $0x1  }
0x17: {  	v3 =	vand.u32 $0x7, v3;
	v4 =	vand.u32 $0xFFFFFFF0, v4  }
0x18: {  	v3 =	vor.u32 v3, v4  }
0x19: {  	v4 =	vperm.xlane v3, v0;
	_ =	sdelay $0x1  }
0x1a: {  	v3 =	vperm.xlane v3, v2;
	v4 =	vadd.s32 v1, v4;
	_ =	sdelay $0x1  }
0x1b: {  	v3 =	vadd.s32 v1, v3;
	_ =	sdelay $0x2  }
0x1c: {  	[tilespmem:s29], [sflag:$0x1] =	stream.indirect_vreg.gather [hbm4b:s1+s3], $0x80, v4, vm0, $0xb8;
	[tilespmem:$0x10400] =	vst v63  }
0x1d: {  	s0 =	simm.s32 $0xC00  }
0x1e: {  	[tilespmem:s0], [sflag:$0x1] =	stream.indirect_vreg.gather [hbm4b:s1+s3], $0x80, v3, vm0, $0xb8;
	[tilespmem:$0x10400] =	vst v63  }
0x1f: {  	v3 =	vld [tilespmem:$0x10];
	_ =	sdelay $0x4  }
0x20: {  	v57 =	vshll.u32 v3, $0x1  }
0x21: {  	v3 =	vand.u32 $0x7, v3;
	v4 =	vand.u32 $0xFFFFFFF0, v57  }
0x22: {  	v3 =	vor.u32 v3, v4  }
0x23: {  	v4 =	vperm.xlane v3, v0;
	_ =	sdelay $0x1  }
0x24: {  	v3 =	vperm.xlane v3, v2;
	v4 =	vadd.s32 v1, v4;
	_ =	sdelay $0x1  }
0x25: {  	v3 =	vadd.s32 v1, v3;
	_ =	sdelay $0x1  }
0x26: {  	s18 =	simm.s32 $0x1400  }
0x27: {  	[tilespmem:s18], [sflag:$0x1] =	stream.indirect_vreg.gather [hbm4b:s1+s3], $0x80, v4, vm0, $0xb8;
	[tilespmem:$0x10400] =	vst v63  }
0x28: {  	s19 =	simm.s32 $0x1C00  }
0x29: {  	[tilespmem:s19], [sflag:$0x1] =	stream.indirect_vreg.gather [hbm4b:s1+s3], $0x80, v3, vm0, $0xb8;
	[tilespmem:$0x10400] =	vst v63  }
0x2a: {  	v3 =	vld [tilespmem:$0x20];
	_ =	sdelay $0x4  }
0x2b: {  	v58 =	vshll.u32 v3, $0x1  }
0x2c: {  	v3 =	vand.u32 $0x7, v3;
	v4 =	vand.u32 $0xFFFFFFF0, v58  }
0x2d: {  	v3 =	vor.u32 v3, v4  }
0x2e: {  	v4 =	vperm.xlane v3, v0;
	_ =	sdelay $0x1  }
0x2f: {  	v3 =	vperm.xlane v3, v2;
	v4 =	vadd.s32 v1, v4;
	_ =	sdelay $0x1  }
0x30: {  	v3 =	vadd.s32 v1, v3;
	_ =	sdelay $0x1  }
0x31: {  	s20 =	simm.s32 $0x2400  }
0x32: {  	[tilespmem:s20], [sflag:$0x1] =	stream.indirect_vreg.gather [hbm4b:s1+s3], $0x80, v4, vm0, $0xb8;
	[tilespmem:$0x10400] =	vst v63  }
0x33: {  	s21 =	simm.s32 $0x2C00  }
0x34: {  	[tilespmem:s21], [sflag:$0x1] =	stream.indirect_vreg.gather [hbm4b:s1+s3], $0x80, v3, vm0, $0xb8;
	[tilespmem:$0x10400] =	vst v63  }
0x35: {  	v3 =	vld [tilespmem:$0x30];
	_ =	sdelay $0x4  }
0x36: {  	v59 =	vshll.u32 v3, $0x1  }
0x37: {  	v3 =	vand.u32 $0x7, v3;
	v4 =	vand.u32 $0xFFFFFFF0, v59  }
0x38: {  	v3 =	vor.u32 v3, v4  }
0x39: {  	v4 =	vperm.xlane v3, v0;
	_ =	sdelay $0x1  }
0x3a: {  	v3 =	vperm.xlane v3, v2;
	v4 =	vadd.s32 v1, v4;
	_ =	sdelay $0x1  }
0x3b: {  	v3 =	vadd.s32 v1, v3;
	_ =	sdelay $0x1  }
0x3c: {  	s24 =	simm.s32 $0x3400  }
0x3d: {  	[tilespmem:s24], [sflag:$0x1] =	stream.indirect_vreg.gather [hbm4b:s1+s3], $0x80, v4, vm0, $0xb8;
	[tilespmem:$0x10400] =	vst v63  }
0x3e: {  	s25 =	simm.s32 $0x3C00  }
0x3f: {  	[tilespmem:s25], [sflag:$0x1] =	stream.indirect_vreg.gather [hbm4b:s1+s3], $0x80, v3, vm0, $0xb8;
	[tilespmem:$0x10400] =	vst v63  }
0x40: {  	v3 =	vld [tilespmem:$0x40];
	_ =	sdelay $0x4  }
0x41: {  	v60 =	vshll.u32 v3, $0x1  }
0x42: {  	v3 =	vand.u32 $0x7, v3;
	v4 =	vand.u32 $0xFFFFFFF0, v60  }
0x43: {  	v3 =	vor.u32 v3, v4  }
0x44: {  	v4 =	vperm.xlane v3, v0;
	_ =	sdelay $0x1  }
0x45: {  	v3 =	vperm.xlane v3, v2;
	v4 =	vadd.s32 v1, v4;
	_ =	sdelay $0x1  }
0x46: {  	v3 =	vadd.s32 v1, v3;
	_ =	sdelay $0x1  }
0x47: {  	s26 =	simm.s32 $0x4400  }
0x48: {  	[tilespmem:s26], [sflag:$0x1] =	stream.indirect_vreg.gather [hbm4b:s1+s3], $0x80, v4, vm0, $0xb8;
	[tilespmem:$0x10400] =	vst v63  }
0x49: {  	s28 =	simm.s32 $0x4C00  }
0x4a: {  	[tilespmem:s28], [sflag:$0x1] =	stream.indirect_vreg.gather [hbm4b:s1+s3], $0x80, v3, vm0, $0xb8;
	[tilespmem:$0x10400] =	vst v63  }
0x4b: {  	v3 =	vld [tilespmem:$0x50];
	_ =	sdelay $0x4  }
0x4c: {  	v61 =	vshll.u32 v3, $0x1  }
0x4d: {  	v3 =	vand.u32 $0x7, v3;
	v4 =	vand.u32 $0xFFFFFFF0, v61  }
0x4e: {  	v3 =	vor.u32 v3, v4  }
0x4f: {  	v4 =	vperm.xlane v3, v0;
	_ =	sdelay $0x1  }
0x50: {  	v3 =	vperm.xlane v3, v2;
	v4 =	vadd.s32 v1, v4;
	_ =	sdelay $0x1  }
0x51: {  	v3 =	vadd.s32 v1, v3;
	_ =	sdelay $0x1  }
0x52: {  	s30 =	simm.s32 $0x5400  }
0x53: {  	[tilespmem:s30], [sflag:$0x1] =	stream.indirect_vreg.gather [hbm4b:s1+s3], $0x80, v4, vm0, $0xb8;
	[tilespmem:$0x10400] =	vst v63  }
0x54: {  	s31 =	simm.s32 $0x5C00  }
0x55: {  	[tilespmem:s31], [sflag:$0x1] =	stream.indirect_vreg.gather [hbm4b:s1+s3], $0x80, v3, vm0, $0xb8;
	[tilespmem:$0x10400] =	vst v63  }
0x56: {  	v3 =	vld [tilespmem:$0x60];
	_ =	sdelay $0x4  }
0x57: {  	v62 =	vshll.u32 v3, $0x1  }
0x58: {  	v3 =	vand.u32 $0x7, v3;
	v4 =	vand.u32 $0xFFFFFFF0, v62  }
0x59: {  	v3 =	vor.u32 v3, v4  }
0x5a: {  	v4 =	vperm.xlane v3, v0;
	_ =	sdelay $0x1  }
0x5b: {  	v3 =	vperm.xlane v3, v2;
	v4 =	vadd.s32 v1, v4;
	_ =	sdelay $0x1  }
0x5c: {  	v3 =	vadd.s32 v1, v3;
	_ =	sdelay $0x1  }
0x5d: {  	s2 =	simm.s32 $0x6400  }
0x5e: {  	[tilespmem:s2], [sflag:$0x1] =	stream.indirect_vreg.gather [hbm4b:s1+s3], $0x80, v4, vm0, $0xb8;
	[tilespmem:$0x10400] =	vst v63  }
0x5f: {  	s6 =	simm.s32 $0x6C00  }
0x60: {  	[tilespmem:s6], [sflag:$0x1] =	stream.indirect_vreg.gather [hbm4b:s1+s3], $0x80, v3, vm0, $0xb8;
	[tilespmem:$0x10400] =	vst v63  }
0x61: {  	v3 =	vld [tilespmem:$0x70];
	_ =	sdelay $0x4  }
0x62: {  	v63 =	vshll.u32 v3, $0x1  }
0x63: {  	v3 =	vand.u32 $0x7, v3;
	v4 =	vand.u32 $0xFFFFFFF0, v63  }
0x64: {  	v3 =	vor.u32 v3, v4  }
0x65: {  	v4 =	vperm.xlane v3, v0;
	_ =	sdelay $0x1  }
0x66: {  	v3 =	vperm.xlane v3, v2;
	v4 =	vadd.s32 v1, v4;
	_ =	sdelay $0x1  }
0x67: {  	v3 =	vadd.s32 v1, v3;
	_ =	sdelay $0x1  }
0x68: {  	s7 =	simm.s32 $0x7400  }
0x69: {  	[tilespmem:s7], [sflag:$0x1] =	stream.indirect_vreg.gather [hbm4b:s1+s3], $0x80, v4, vm0, $0xb8;
	[tilespmem:$0x10400] =	vst v63  }
0x6a: {  	s8 =	simm.s32 $0x7C00  }
0x6b: {  	[tilespmem:s8], [sflag:$0x1] =	stream.indirect_vreg.gather [hbm4b:s1+s3], $0x80, v3, vm0, $0xb8;
	[tilespmem:$0x10400] =	vst v63  }
0x6c: {  	_ =	swait.ge [sflag:s22], $0x8000  }
0x6d: {  	[sflag:s22] =	ssyncset.done $0x0  }
0x6e: {  	[sflag:s22] =	ssyncadd.s32 $0xFFFF8000  }
0x6f: {  	v3 =	vld [tilespmem:$0x80];
	_ =	sdelay $0x4  }
0x70: {  	v8 =	vshll.u32 v3, $0x1  }
0x71: {  	v3 =	vand.u32 $0x7, v3;
	v4 =	vand.u32 $0xFFFFFFF0, v8  }
0x72: {  	v3 =	vor.u32 v3, v4  }
0x73: {  	v4 =	vperm.xlane v3, v0;
	_ =	sdelay $0x1  }
0x74: {  	v3 =	vperm.xlane v3, v2;
	v4 =	vadd.s32 v1, v4;
	_ =	sdelay $0x1  }
0x75: {  	v3 =	vadd.s32 v1, v3;
	_ =	sdelay $0x2  }
0x76: {  	[tilespmem:s23], [sflag:$0x2] =	stream.indirect_vreg.gather [hbm4b:s1+s3], $0x80, v4, vm0, $0xb8;
	[tilespmem:$0x10400] =	vst v63  }
0x77: {  	s9 =	simm.s32 $0x8C00  }
0x78: {  	[tilespmem:s9], [sflag:$0x2] =	stream.indirect_vreg.gather [hbm4b:s1+s3], $0x80, v3, vm0, $0xb8;
	[tilespmem:$0x10400] =	vst v63  }
0x79: {  	v3 =	vld [tilespmem:$0x90];
	_ =	sdelay $0x4  }
0x7a: {  	v9 =	vshll.u32 v3, $0x1  }
0x7b: {  	v3 =	vand.u32 $0x7, v3;
	v4 =	vand.u32 $0xFFFFFFF0, v9  }
0x7c: {  	v3 =	vor.u32 v3, v4  }
0x7d: {  	v4 =	vperm.xlane v3, v0;
	_ =	sdelay $0x1  }
0x7e: {  	v3 =	vperm.xlane v3, v2;
	v4 =	vadd.s32 v1, v4;
	_ =	sdelay $0x1  }
0x7f: {  	v3 =	vadd.s32 v1, v3;
	_ =	sdelay $0x1  }
0x80: {  	s11 =	simm.s32 $0x9400  }
0x81: {  	[tilespmem:s11], [sflag:$0x2] =	stream.indirect_vreg.gather [hbm4b:s1+s3], $0x80, v4, vm0, $0xb8;
	[tilespmem:$0x10400] =	vst v63  }
0x82: {  	s14 =	simm.s32 $0x9C00  }
0x83: {  	[tilespmem:s14], [sflag:$0x2] =	stream.indirect_vreg.gather [hbm4b:s1+s3], $0x80, v3, vm0, $0xb8;
	[tilespmem:$0x10400] =	vst v63  }
0x84: {  	v3 =	vld [tilespmem:$0xA0];
	_ =	sdelay $0x4  }
0x85: {  	v10 =	vshll.u32 v3, $0x1  }
0x86: {  	v3 =	vand.u32 $0x7, v3;
	v4 =	vand.u32 $0xFFFFFFF0, v10  }
0x87: {  	v3 =	vor.u32 v3, v4  }
0x88: {  	v4 =	vperm.xlane v3, v0;
	_ =	sdelay $0x1  }
0x89: {  	v3 =	vperm.xlane v3, v2;
	v4 =	vadd.s32 v1, v4;
	_ =	sdelay $0x1  }
0x8a: {  	v3 =	vadd.s32 v1, v3;
	_ =	sdelay $0x1  }
0x8b: {  	s16 =	simm.s32 $0xA400  }
0x8c: {  	[tilespmem:s16], [sflag:$0x2] =	stream.indirect_vreg.gather [hbm4b:s1+s3], $0x80, v4, vm0, $0xb8;
	[tilespmem:$0x10400] =	vst v63  }
0x8d: {  	s26 =	simm.s32 $0xAC00  }
0x8e: {  	[tilespmem:s26], [sflag:$0x2] =	stream.indirect_vreg.gather [hbm4b:s1+s3], $0x80, v3, vm0, $0xb8;
	[tilespmem:$0x10400] =	vst v63  }
0x8f: {  	v3 =	vld [tilespmem:$0xB0];
	_ =	sdelay $0x4  }
0x90: {  	v11 =	vshll.u32 v3, $0x1  }
0x91: {  	v3 =	vand.u32 $0x7, v3;
	v4 =	vand.u32 $0xFFFFFFF0, v11  }
0x92: {  	v3 =	vor.u32 v3, v4  }
0x93: {  	v4 =	vperm.xlane v3, v0;
	_ =	sdelay $0x1  }
0x94: {  	v3 =	vperm.xlane v3, v2;
	v4 =	vadd.s32 v1, v4;
	_ =	sdelay $0x1  }
0x95: {  	v3 =	vadd.s32 v1, v3;
	_ =	sdelay $0x1  }
0x96: {  	s28 =	simm.s32 $0xB400  }
0x97: {  	[tilespmem:s28], [sflag:$0x2] =	stream.indirect_vreg.gather [hbm4b:s1+s3], $0x80, v4, vm0, $0xb8;
	[tilespmem:$0x10400] =	vst v63  }
0x98: {  	s6 =	simm.s32 $0xBC00  }
0x99: {  	[tilespmem:s6], [sflag:$0x2] =	stream.indirect_vreg.gather [hbm4b:s1+s3], $0x80, v3, vm0, $0xb8;
	[tilespmem:$0x10400] =	vst v63  }
0x9a: {  	v3 =	vld [tilespmem:$0xC0];
	_ =	sdelay $0x4  }
0x9b: {  	v12 =	vshll.u32 v3, $0x1  }
0x9c: {  	v3 =	vand.u32 $0x7, v3;
	v4 =	vand.u32 $0xFFFFFFF0, v12  }
0x9d: {  	v3 =	vor.u32 v3, v4  }
0x9e: {  	v4 =	vperm.xlane v3, v0;
	_ =	sdelay $0x1  }
0x9f: {  	v3 =	vperm.xlane v3, v2;
	v4 =	vadd.s32 v1, v4;
	_ =	sdelay $0x1  }
0xa0: {  	v3 =	vadd.s32 v1, v3;
	_ =	sdelay $0x1  }
0xa1: {  	s11 =	simm.s32 $0xC400  }
0xa2: {  	[tilespmem:s11], [sflag:$0x2] =	stream.indirect_vreg.gather [hbm4b:s1+s3], $0x80, v4, vm0, $0xb8;
	[tilespmem:$0x10400] =	vst v63  }
0xa3: {  	s16 =	simm.s32 $0xCC00  }
0xa4: {  	[tilespmem:s16], [sflag:$0x2] =	stream.indirect_vreg.gather [hbm4b:s1+s3], $0x80, v3, vm0, $0xb8;
	[tilespmem:$0x10400] =	vst v63  }
0xa5: {  	v3 =	vld [tilespmem:$0xD0];
	_ =	sdelay $0x4  }
0xa6: {  	v13 =	vshll.u32 v3, $0x1  }
0xa7: {  	v3 =	vand.u32 $0x7, v3;
	v4 =	vand.u32 $0xFFFFFFF0, v13  }
0xa8: {  	v3 =	vor.u32 v3, v4  }
0xa9: {  	v4 =	vperm.xlane v3, v0;
	_ =	sdelay $0x1  }
0xaa: {  	v3 =	vperm.xlane v3, v2;
	v4 =	vadd.s32 v1, v4;
	_ =	sdelay $0x1  }
0xab: {  	v3 =	vadd.s32 v1, v3;
	_ =	sdelay $0x1  }
0xac: {  	s26 =	simm.s32 $0xD400  }
0xad: {  	[tilespmem:s26], [sflag:$0x2] =	stream.indirect_vreg.gather [hbm4b:s1+s3], $0x80, v4, vm0, $0xb8;
	[tilespmem:$0x10400] =	vst v63  }
0xae: {  	s28 =	simm.s32 $0xDC00  }
0xaf: {  	[tilespmem:s28], [sflag:$0x2] =	stream.indirect_vreg.gather [hbm4b:s1+s3], $0x80, v3, vm0, $0xb8;
	[tilespmem:$0x10400] =	vst v63  }
0xb0: {  	v3 =	vld [tilespmem:$0xE0];
	_ =	sdelay $0x4  }
0xb1: {  	v14 =	vshll.u32 v3, $0x1  }
0xb2: {  	v3 =	vand.u32 $0x7, v3;
	v4 =	vand.u32 $0xFFFFFFF0, v14  }
0xb3: {  	v3 =	vor.u32 v3, v4  }
0xb4: {  	v4 =	vperm.xlane v3, v0;
	_ =	sdelay $0x1  }
0xb5: {  	v3 =	vperm.xlane v3, v2;
	v4 =	vadd.s32 v1, v4;
	_ =	sdelay $0x1  }
0xb6: {  	v3 =	vadd.s32 v1, v3;
	_ =	sdelay $0x1  }
0xb7: {  	s0 =	simm.s32 $0xE400  }
0xb8: {  	[tilespmem:s0], [sflag:$0x2] =	stream.indirect_vreg.gather [hbm4b:s1+s3], $0x80, v4, vm0, $0xb8;
	[tilespmem:$0x10400] =	vst v63  }
0xb9: {  	s11 =	simm.s32 $0xEC00  }
0xba: {  	[tilespmem:s11], [sflag:$0x2] =	stream.indirect_vreg.gather [hbm4b:s1+s3], $0x80, v3, vm0, $0xb8;
	[tilespmem:$0x10400] =	vst v63  }
0xbb: {  	v3 =	vld [tilespmem:$0xF0];
	_ =	sdelay $0x4  }
0xbc: {  	v15 =	vshll.u32 v3, $0x1  }
0xbd: {  	v3 =	vand.u32 $0x7, v3;
	v4 =	vand.u32 $0xFFFFFFF0, v15  }
0xbe: {  	v3 =	vor.u32 v3, v4  }
0xbf: {  	v4 =	vperm.xlane v3, v0;
	_ =	sdelay $0x1  }
0xc0: {  	v3 =	vperm.xlane v3, v2;
	v4 =	vadd.s32 v1, v4;
	_ =	sdelay $0x1  }
0xc1: {  	v3 =	vadd.s32 v1, v3;
	_ =	sdelay $0x1  }
0xc2: {  	s16 =	simm.s32 $0xF400  }
0xc3: {  	[tilespmem:s16], [sflag:$0x2] =	stream.indirect_vreg.gather [hbm4b:s1+s3], $0x80, v4, vm0, $0xb8;
	[tilespmem:$0x10400] =	vst v63  }
0xc4: {  	s28 =	simm.s32 $0xFC00  }
0xc5: {  	[tilespmem:s28], [sflag:$0x2] =	stream.indirect_vreg.gather [hbm4b:s1+s3], $0x80, v3, vm0, $0xb8;
	[tilespmem:$0x10400] =	vst v63  }
0xc6: {  	s26 =	rddreg [dreg:$0x5]  }
0xc7: {  	[hbm4b:s26+s3] =	stream.linear.scatter [tilespmem:s29], [sflag:$0x3], $0x8000, $0x38;
	[tilespmem:$0x10400] =	vst v63  }
0xc8: {  	_ =	swait.ge [sflag:s5], $0x8000  }
0xc9: {  	[sflag:s5] =	ssyncset.done $0x0  }
0xca: {  	[sflag:s5] =	ssyncadd.s32 $0xFFFF8000  }
0xcb: {  	_ =	swait.ge [sflag:s13], $0x8000  }
0xcc: {  	[sflag:s13] =	ssyncset.done $0x0  }
0xcd: {  	[sflag:s13] =	ssyncadd.s32 $0xFFFF8000  }
0xce: {  	v3 =	vld [tilespmem:$0x100];
	_ =	sdelay $0x4  }
0xcf: {  	v16 =	vshll.u32 v3, $0x1  }
0xd0: {  	v3 =	vand.u32 $0x7, v3;
	v4 =	vand.u32 $0xFFFFFFF0, v16  }
0xd1: {  	v3 =	vor.u32 v3, v4  }
0xd2: {  	v4 =	vperm.xlane v3, v0;
	_ =	sdelay $0x1  }
0xd3: {  	v3 =	vperm.xlane v3, v2;
	v4 =	vadd.s32 v1, v4;
	_ =	sdelay $0x1  }
0xd4: {  	v3 =	vadd.s32 v1, v3;
	_ =	sdelay $0x2  }
0xd5: {  	[tilespmem:s29], [sflag:$0x1] =	stream.indirect_vreg.gather [hbm4b:s1+s3], $0x80, v4, vm0, $0xb8;
	[tilespmem:$0x10400] =	vst v63  }
0xd6: {  	s15 =	simm.s32 $0xC00  }
0xd7: {  	[tilespmem:s15], [sflag:$0x1] =	stream.indirect_vreg.gather [hbm4b:s1+s3], $0x80, v3, vm0, $0xb8;
	[tilespmem:$0x10400] =	vst v63  }
0xd8: {  	v3 =	vld [tilespmem:$0x110];
	_ =	sdelay $0x4  }
0xd9: {  	v17 =	vshll.u32 v3, $0x1  }
0xda: {  	v3 =	vand.u32 $0x7, v3;
	v4 =	vand.u32 $0xFFFFFFF0, v17  }
0xdb: {  	v3 =	vor.u32 v3, v4  }
0xdc: {  	v4 =	vperm.xlane v3, v0;
	_ =	sdelay $0x1  }
0xdd: {  	v3 =	vperm.xlane v3, v2;
	v4 =	vadd.s32 v1, v4;
	_ =	sdelay $0x1  }
0xde: {  	v3 =	vadd.s32 v1, v3;
	_ =	sdelay $0x1  }
0xdf: {  	s12 =	simm.s32 $0x1400  }
0xe0: {  	[tilespmem:s12], [sflag:$0x1] =	stream.indirect_vreg.gather [hbm4b:s1+s3], $0x80, v4, vm0, $0xb8;
	[tilespmem:$0x10400] =	vst v63  }
0xe1: {  	s17 =	simm.s32 $0x1C00  }
0xe2: {  	[tilespmem:s17], [sflag:$0x1] =	stream.indirect_vreg.gather [hbm4b:s1+s3], $0x80, v3, vm0, $0xb8;
	[tilespmem:$0x10400] =	vst v63  }
0xe3: {  	v3 =	vld [tilespmem:$0x120];
	_ =	sdelay $0x4  }
0xe4: {  	v18 =	vshll.u32 v3, $0x1  }
0xe5: {  	v3 =	vand.u32 $0x7, v3;
	v4 =	vand.u32 $0xFFFFFFF0, v18  }
0xe6: {  	v3 =	vor.u32 v3, v4  }
0xe7: {  	v4 =	vperm.xlane v3, v0;
	_ =	sdelay $0x1  }
0xe8: {  	v3 =	vperm.xlane v3, v2;
	v4 =	vadd.s32 v1, v4;
	_ =	sdelay $0x1  }
0xe9: {  	v3 =	vadd.s32 v1, v3;
	_ =	sdelay $0x1  }
0xea: {  	s18 =	simm.s32 $0x2400  }
0xeb: {  	[tilespmem:s18], [sflag:$0x1] =	stream.indirect_vreg.gather [hbm4b:s1+s3], $0x80, v4, vm0, $0xb8;
	[tilespmem:$0x10400] =	vst v63  }
0xec: {  	s19 =	simm.s32 $0x2C00  }
0xed: {  	[tilespmem:s19], [sflag:$0x1] =	stream.indirect_vreg.gather [hbm4b:s1+s3], $0x80, v3, vm0, $0xb8;
	[tilespmem:$0x10400] =	vst v63  }
0xee: {  	v3 =	vld [tilespmem:$0x130];
	_ =	sdelay $0x4  }
0xef: {  	v19 =	vshll.u32 v3, $0x1  }
0xf0: {  	v3 =	vand.u32 $0x7, v3;
	v4 =	vand.u32 $0xFFFFFFF0, v19  }
0xf1: {  	v3 =	vor.u32 v3, v4  }
0xf2: {  	v4 =	vperm.xlane v3, v0;
	_ =	sdelay $0x1  }
0xf3: {  	v3 =	vperm.xlane v3, v2;
	v4 =	vadd.s32 v1, v4;
	_ =	sdelay $0x1  }
0xf4: {  	v3 =	vadd.s32 v1, v3;
	_ =	sdelay $0x1  }
0xf5: {  	s20 =	simm.s32 $0x3400  }
0xf6: {  	[tilespmem:s20], [sflag:$0x1] =	stream.indirect_vreg.gather [hbm4b:s1+s3], $0x80, v4, vm0, $0xb8;
	[tilespmem:$0x10400] =	vst v63  }
0xf7: {  	s21 =	simm.s32 $0x3C00  }
0xf8: {  	[tilespmem:s21], [sflag:$0x1] =	stream.indirect_vreg.gather [hbm4b:s1+s3], $0x80, v3, vm0, $0xb8;
	[tilespmem:$0x10400] =	vst v63  }
0xf9: {  	v3 =	vld [tilespmem:$0x140];
	_ =	sdelay $0x4  }
0xfa: {  	v20 =	vshll.u32 v3, $0x1  }
0xfb: {  	v3 =	vand.u32 $0x7, v3;
	v4 =	vand.u32 $0xFFFFFFF0, v20  }
0xfc: {  	v3 =	vor.u32 v3, v4  }
0xfd: {  	v4 =	vperm.xlane v3, v0;
	_ =	sdelay $0x1  }
0xfe: {  	v3 =	vperm.xlane v3, v2;
	v4 =	vadd.s32 v1, v4;
	_ =	sdelay $0x1  }
0xff: {  	v3 =	vadd.s32 v1, v3;
	_ =	sdelay $0x1  }
0x100: {  	s24 =	simm.s32 $0x4400  }
0x101: {  	[tilespmem:s24], [sflag:$0x1] =	stream.indirect_vreg.gather [hbm4b:s1+s3], $0x80, v4, vm0, $0xb8;
	[tilespmem:$0x10400] =	vst v63  }
0x102: {  	s25 =	simm.s32 $0x4C00  }
0x103: {  	[tilespmem:s25], [sflag:$0x1] =	stream.indirect_vreg.gather [hbm4b:s1+s3], $0x80, v3, vm0, $0xb8;
	[tilespmem:$0x10400] =	vst v63  }
0x104: {  	v3 =	vld [tilespmem:$0x150];
	_ =	sdelay $0x4  }
0x105: {  	v21 =	vshll.u32 v3, $0x1  }
0x106: {  	v3 =	vand.u32 $0x7, v3;
	v4 =	vand.u32 $0xFFFFFFF0, v21  }
0x107: {  	v3 =	vor.u32 v3, v4  }
0x108: {  	v4 =	vperm.xlane v3, v0;
	_ =	sdelay $0x1  }
0x109: {  	v3 =	vperm.xlane v3, v2;
	v4 =	vadd.s32 v1, v4;
	_ =	sdelay $0x1  }
0x10a: {  	v3 =	vadd.s32 v1, v3;
	_ =	sdelay $0x1  }
0x10b: {  	s11 =	simm.s32 $0x5400  }
0x10c: {  	[tilespmem:s11], [sflag:$0x1] =	stream.indirect_vreg.gather [hbm4b:s1+s3], $0x80, v4, vm0, $0xb8;
	[tilespmem:$0x10400] =	vst v63  }
0x10d: {  	s16 =	simm.s32 $0x5C00  }
0x10e: {  	[tilespmem:s16], [sflag:$0x1] =	stream.indirect_vreg.gather [hbm4b:s1+s3], $0x80, v3, vm0, $0xb8;
	[tilespmem:$0x10400] =	vst v63  }
0x10f: {  	v3 =	vld [tilespmem:$0x160];
	_ =	sdelay $0x4  }
0x110: {  	v22 =	vshll.u32 v3, $0x1  }
0x111: {  	v3 =	vand.u32 $0x7, v3;
	v4 =	vand.u32 $0xFFFFFFF0, v22  }
0x112: {  	v3 =	vor.u32 v3, v4  }
0x113: {  	v4 =	vperm.xlane v3, v0;
	_ =	sdelay $0x1  }
0x114: {  	v3 =	vperm.xlane v3, v2;
	v4 =	vadd.s32 v1, v4;
	_ =	sdelay $0x1  }
0x115: {  	v3 =	vadd.s32 v1, v3;
	_ =	sdelay $0x1  }
0x116: {  	s17 =	simm.s32 $0x6400  }
0x117: {  	[tilespmem:s17], [sflag:$0x1] =	stream.indirect_vreg.gather [hbm4b:s1+s3], $0x80, v4, vm0, $0xb8;
	[tilespmem:$0x10400] =	vst v63  }
0x118: {  	s31 =	simm.s32 $0x6C00  }
0x119: {  	[tilespmem:s31], [sflag:$0x1] =	stream.indirect_vreg.gather [hbm4b:s1+s3], $0x80, v3, vm0, $0xb8;
	[tilespmem:$0x10400] =	vst v63  }
0x11a: {  	v3 =	vld [tilespmem:$0x170];
	_ =	sdelay $0x4  }
0x11b: {  	v23 =	vshll.u32 v3, $0x1  }
0x11c: {  	v3 =	vand.u32 $0x7, v3;
	v4 =	vand.u32 $0xFFFFFFF0, v23  }
0x11d: {  	v3 =	vor.u32 v3, v4  }
0x11e: {  	v4 =	vperm.xlane v3, v0;
	_ =	sdelay $0x1  }
0x11f: {  	v3 =	vperm.xlane v3, v2;
	v4 =	vadd.s32 v1, v4;
	_ =	sdelay $0x1  }
0x120: {  	v3 =	vadd.s32 v1, v3;
	_ =	sdelay $0x1  }
0x121: {  	s30 =	simm.s32 $0x7400  }
0x122: {  	[tilespmem:s30], [sflag:$0x1] =	stream.indirect_vreg.gather [hbm4b:s1+s3], $0x80, v4, vm0, $0xb8;
	[tilespmem:$0x10400] =	vst v63  }
0x123: {  	s10 =	simm.s32 $0x7C00  }
0x124: {  	[tilespmem:s10], [sflag:$0x1] =	stream.indirect_vreg.gather [hbm4b:s1+s3], $0x80, v3, vm0, $0xb8;
	[tilespmem:$0x10400] =	vst v63  }
0x125: {  	s30 =	rddreg [dreg:$0x6]  }
0x126: {  	[hbm4b:s30+s3] =	stream.linear.scatter [tilespmem:s23], [sflag:$0x3], $0x8000, $0x38;
	[tilespmem:$0x10400] =	vst v63  }
0x127: {  	_ =	swait.ge [sflag:s5], $0x8000  }
0x128: {  	[sflag:s5] =	ssyncset.done $0x0  }
0x129: {  	[sflag:s5] =	ssyncadd.s32 $0xFFFF8000  }
0x12a: {  	_ =	swait.ge [sflag:s22], $0x8000  }
0x12b: {  	[sflag:s22] =	ssyncset.done $0x0  }
0x12c: {  	[sflag:s22] =	ssyncadd.s32 $0xFFFF8000  }
0x12d: {  	v3 =	vld [tilespmem:$0x180];
	_ =	sdelay $0x4  }
0x12e: {  	v24 =	vshll.u32 v3, $0x1  }
0x12f: {  	v3 =	vand.u32 $0x7, v3;
	v4 =	vand.u32 $0xFFFFFFF0, v24  }
0x130: {  	v3 =	vor.u32 v3, v4  }
0x131: {  	v4 =	vperm.xlane v3, v0;
	_ =	sdelay $0x1  }
0x132: {  	v3 =	vperm.xlane v3, v2;
	v4 =	vadd.s32 v1, v4;
	_ =	sdelay $0x1  }
0x133: {  	v3 =	vadd.s32 v1, v3;
	_ =	sdelay $0x2  }
0x134: {  	[tilespmem:s23], [sflag:$0x2] =	stream.indirect_vreg.gather [hbm4b:s1+s3], $0x80, v4, vm0, $0xb8;
	[tilespmem:$0x10400] =	vst v63  }
0x135: {  	s9 =	simm.s32 $0x8C00  }
0x136: {  	[tilespmem:s9], [sflag:$0x2] =	stream.indirect_vreg.gather [hbm4b:s1+s3], $0x80, v3, vm0, $0xb8;
	[tilespmem:$0x10400] =	vst v63  }
0x137: {  	v3 =	vld [tilespmem:$0x190];
	_ =	sdelay $0x4  }
0x138: {  	v25 =	vshll.u32 v3, $0x1  }
0x139: {  	v3 =	vand.u32 $0x7, v3;
	v4 =	vand.u32 $0xFFFFFFF0, v25  }
0x13a: {  	v3 =	vor.u32 v3, v4  }
0x13b: {  	v4 =	vperm.xlane v3, v0;
	_ =	sdelay $0x1  }
0x13c: {  	v3 =	vperm.xlane v3, v2;
	v4 =	vadd.s32 v1, v4;
	_ =	sdelay $0x1  }
0x13d: {  	v3 =	vadd.s32 v1, v3;
	_ =	sdelay $0x1  }
0x13e: {  	s2 =	simm.s32 $0x9400  }
0x13f: {  	[tilespmem:s2], [sflag:$0x2] =	stream.indirect_vreg.gather [hbm4b:s1+s3], $0x80, v4, vm0, $0xb8;
	[tilespmem:$0x10400] =	vst v63  }
0x140: {  	s10 =	simm.s32 $0x9C00  }
0x141: {  	[tilespmem:s10], [sflag:$0x2] =	stream.indirect_vreg.gather [hbm4b:s1+s3], $0x80, v3, vm0, $0xb8;
	[tilespmem:$0x10400] =	vst v63  }
0x142: {  	v3 =	vld [tilespmem:$0x1A0];
	_ =	sdelay $0x4  }
0x143: {  	v26 =	vshll.u32 v3, $0x1  }
0x144: {  	v3 =	vand.u32 $0x7, v3;
	v4 =	vand.u32 $0xFFFFFFF0, v26  }
0x145: {  	v3 =	vor.u32 v3, v4  }
0x146: {  	v4 =	vperm.xlane v3, v0;
	_ =	sdelay $0x1  }
0x147: {  	v3 =	vperm.xlane v3, v2;
	v4 =	vadd.s32 v1, v4;
	_ =	sdelay $0x1  }
0x148: {  	v3 =	vadd.s32 v1, v3;
	_ =	sdelay $0x1  }
0x149: {  	s7 =	simm.s32 $0xA400  }
0x14a: {  	[tilespmem:s7], [sflag:$0x2] =	stream.indirect_vreg.gather [hbm4b:s1+s3], $0x80, v4, vm0, $0xb8;
	[tilespmem:$0x10400] =	vst v63  }
0x14b: {  	s12 =	simm.s32 $0xAC00  }
0x14c: {  	[tilespmem:s12], [sflag:$0x2] =	stream.indirect_vreg.gather [hbm4b:s1+s3], $0x80, v3, vm0, $0xb8;
	[tilespmem:$0x10400] =	vst v63  }
0x14d: {  	v3 =	vld [tilespmem:$0x1B0];
	_ =	sdelay $0x4  }
0x14e: {  	v27 =	vshll.u32 v3, $0x1  }
0x14f: {  	v3 =	vand.u32 $0x7, v3;
	v4 =	vand.u32 $0xFFFFFFF0, v27  }
0x150: {  	v3 =	vor.u32 v3, v4  }
0x151: {  	v4 =	vperm.xlane v3, v0;
	_ =	sdelay $0x1  }
0x152: {  	v3 =	vperm.xlane v3, v2;
	v4 =	vadd.s32 v1, v4;
	_ =	sdelay $0x1  }
0x153: {  	v3 =	vadd.s32 v1, v3;
	_ =	sdelay $0x1  }
0x154: {  	s8 =	simm.s32 $0xB400  }
0x155: {  	[tilespmem:s8], [sflag:$0x2] =	stream.indirect_vreg.gather [hbm4b:s1+s3], $0x80, v4, vm0, $0xb8;
	[tilespmem:$0x10400] =	vst v63  }
0x156: {  	s15 =	simm.s32 $0xBC00  }
0x157: {  	[tilespmem:s15], [sflag:$0x2] =	stream.indirect_vreg.gather [hbm4b:s1+s3], $0x80, v3, vm0, $0xb8;
	[tilespmem:$0x10400] =	vst v63  }
0x158: {  	v3 =	vld [tilespmem:$0x1C0];
	_ =	sdelay $0x4  }
0x159: {  	v28 =	vshll.u32 v3, $0x1  }
0x15a: {  	v3 =	vand.u32 $0x7, v3;
	v4 =	vand.u32 $0xFFFFFFF0, v28  }
0x15b: {  	v3 =	vor.u32 v3, v4  }
0x15c: {  	v4 =	vperm.xlane v3, v0;
	_ =	sdelay $0x1  }
0x15d: {  	v3 =	vperm.xlane v3, v2;
	v4 =	vadd.s32 v1, v4;
	_ =	sdelay $0x1  }
0x15e: {  	v3 =	vadd.s32 v1, v3;
	_ =	sdelay $0x1  }
0x15f: {  	s0 =	simm.s32 $0xC400  }
0x160: {  	[tilespmem:s0], [sflag:$0x2] =	stream.indirect_vreg.gather [hbm4b:s1+s3], $0x80, v4, vm0, $0xb8;
	[tilespmem:$0x10400] =	vst v63  }
0x161: {  	s6 =	simm.s32 $0xCC00  }
0x162: {  	[tilespmem:s6], [sflag:$0x2] =	stream.indirect_vreg.gather [hbm4b:s1+s3], $0x80, v3, vm0, $0xb8;
	[tilespmem:$0x10400] =	vst v63  }
0x163: {  	v3 =	vld [tilespmem:$0x1D0];
	_ =	sdelay $0x4  }
0x164: {  	v29 =	vshll.u32 v3, $0x1  }
0x165: {  	v3 =	vand.u32 $0x7, v3;
	v4 =	vand.u32 $0xFFFFFFF0, v29  }
0x166: {  	v3 =	vor.u32 v3, v4  }
0x167: {  	v4 =	vperm.xlane v3, v0;
	_ =	sdelay $0x1  }
0x168: {  	v3 =	vperm.xlane v3, v2;
	v4 =	vadd.s32 v1, v4;
	_ =	sdelay $0x1  }
0x169: {  	v3 =	vadd.s32 v1, v3;
	_ =	sdelay $0x1  }
0x16a: {  	s2 =	simm.s32 $0xD400  }
0x16b: {  	[tilespmem:s2], [sflag:$0x2] =	stream.indirect_vreg.gather [hbm4b:s1+s3], $0x80, v4, vm0, $0xb8;
	[tilespmem:$0x10400] =	vst v63  }
0x16c: {  	s7 =	simm.s32 $0xDC00  }
0x16d: {  	[tilespmem:s7], [sflag:$0x2] =	stream.indirect_vreg.gather [hbm4b:s1+s3], $0x80, v3, vm0, $0xb8;
	[tilespmem:$0x10400] =	vst v63  }
0x16e: {  	v3 =	vld [tilespmem:$0x1E0];
	_ =	sdelay $0x4  }
0x16f: {  	v30 =	vshll.u32 v3, $0x1  }
0x170: {  	v3 =	vand.u32 $0x7, v3;
	v4 =	vand.u32 $0xFFFFFFF0, v30  }
0x171: {  	v3 =	vor.u32 v3, v4  }
0x172: {  	v4 =	vperm.xlane v3, v0;
	_ =	sdelay $0x1  }
0x173: {  	v3 =	vperm.xlane v3, v2;
	v4 =	vadd.s32 v1, v4;
	_ =	sdelay $0x1  }
0x174: {  	v3 =	vadd.s32 v1, v3;
	_ =	sdelay $0x1  }
0x175: {  	s6 =	simm.s32 $0xE400  }
0x176: {  	[tilespmem:s6], [sflag:$0x2] =	stream.indirect_vreg.gather [hbm4b:s1+s3], $0x80, v4, vm0, $0xb8;
	[tilespmem:$0x10400] =	vst v63  }
0x177: {  	s8 =	simm.s32 $0xEC00  }
0x178: {  	[tilespmem:s8], [sflag:$0x2] =	stream.indirect_vreg.gather [hbm4b:s1+s3], $0x80, v3, vm0, $0xb8;
	[tilespmem:$0x10400] =	vst v63  }
0x179: {  	v3 =	vld [tilespmem:$0x1F0];
	_ =	sdelay $0x4  }
0x17a: {  	v31 =	vshll.u32 v3, $0x1  }
0x17b: {  	v3 =	vand.u32 $0x7, v3;
	v4 =	vand.u32 $0xFFFFFFF0, v31  }
0x17c: {  	v3 =	vor.u32 v3, v4  }
0x17d: {  	v4 =	vperm.xlane v3, v0;
	_ =	sdelay $0x1  }
0x17e: {  	v3 =	vperm.xlane v3, v2;
	v4 =	vadd.s32 v1, v4;
	_ =	sdelay $0x1  }
0x17f: {  	v3 =	vadd.s32 v1, v3;
	_ =	sdelay $0x1  }
0x180: {  	s9 =	simm.s32 $0xF400  }
0x181: {  	[tilespmem:s9], [sflag:$0x2] =	stream.indirect_vreg.gather [hbm4b:s1+s3], $0x80, v4, vm0, $0xb8;
	[tilespmem:$0x10400] =	vst v63  }
0x182: {  	s28 =	simm.s32 $0xFC00  }
0x183: {  	[tilespmem:s28], [sflag:$0x2] =	stream.indirect_vreg.gather [hbm4b:s1+s3], $0x80, v3, vm0, $0xb8;
	[tilespmem:$0x10400] =	vst v63  }
0x184: {  	s31 =	rddreg [dreg:$0x7]  }
0x185: {  	[hbm4b:s31+s3] =	stream.linear.scatter [tilespmem:s29], [sflag:$0x3], $0x8000, $0x38;
	[tilespmem:$0x10400] =	vst v63  }
0x186: {  	_ =	swait.ge [sflag:s5], $0x8000  }
0x187: {  	[sflag:s5] =	ssyncset.done $0x0  }
0x188: {  	[sflag:s5] =	ssyncadd.s32 $0xFFFF8000  }
0x189: {  	_ =	swait.ge [sflag:s13], $0x8000  }
0x18a: {  	[sflag:s13] =	ssyncset.done $0x0  }
0x18b: {  	[sflag:s13] =	ssyncadd.s32 $0xFFFF8000  }
0x18c: {  	v3 =	vld [tilespmem:$0x200];
	_ =	sdelay $0x4  }
0x18d: {  	v32 =	vshll.u32 v3, $0x1  }
0x18e: {  	v3 =	vand.u32 $0x7, v3;
	v4 =	vand.u32 $0xFFFFFFF0, v32  }
0x18f: {  	v3 =	vor.u32 v3, v4  }
0x190: {  	v4 =	vperm.xlane v3, v0;
	_ =	sdelay $0x1  }
0x191: {  	v3 =	vperm.xlane v3, v2;
	v4 =	vadd.s32 v1, v4;
	_ =	sdelay $0x1  }
0x192: {  	v3 =	vadd.s32 v1, v3;
	_ =	sdelay $0x2  }
0x193: {  	[tilespmem:s29], [sflag:$0x1] =	stream.indirect_vreg.gather [hbm4b:s1+s3], $0x80, v4, vm0, $0xb8;
	[tilespmem:$0x10400] =	vst v63  }
0x194: {  	s28 =	simm.s32 $0xC00  }
0x195: {  	[tilespmem:s28], [sflag:$0x1] =	stream.indirect_vreg.gather [hbm4b:s1+s3], $0x80, v3, vm0, $0xb8;
	[tilespmem:$0x10400] =	vst v63  }
0x196: {  	v3 =	vld [tilespmem:$0x210];
	_ =	sdelay $0x4  }
0x197: {  	v33 =	vshll.u32 v3, $0x1  }
0x198: {  	v3 =	vand.u32 $0x7, v3;
	v4 =	vand.u32 $0xFFFFFFF0, v33  }
0x199: {  	v3 =	vor.u32 v3, v4  }
0x19a: {  	v4 =	vperm.xlane v3, v0;
	_ =	sdelay $0x1  }
0x19b: {  	v3 =	vperm.xlane v3, v2;
	v4 =	vadd.s32 v1, v4;
	_ =	sdelay $0x1  }
0x19c: {  	v3 =	vadd.s32 v1, v3;
	_ =	sdelay $0x1  }
0x19d: {  	s26 =	simm.s32 $0x1400  }
0x19e: {  	[tilespmem:s26], [sflag:$0x1] =	stream.indirect_vreg.gather [hbm4b:s1+s3], $0x80, v4, vm0, $0xb8;
	[tilespmem:$0x10400] =	vst v63  }
0x19f: {  	s31 =	simm.s32 $0x1C00  }
0x1a0: {  	[tilespmem:s31], [sflag:$0x1] =	stream.indirect_vreg.gather [hbm4b:s1+s3], $0x80, v3, vm0, $0xb8;
	[tilespmem:$0x10400] =	vst v63  }
0x1a1: {  	v3 =	vld [tilespmem:$0x220];
	_ =	sdelay $0x4  }
0x1a2: {  	v34 =	vshll.u32 v3, $0x1  }
0x1a3: {  	v3 =	vand.u32 $0x7, v3;
	v4 =	vand.u32 $0xFFFFFFF0, v34  }
0x1a4: {  	v3 =	vor.u32 v3, v4  }
0x1a5: {  	v4 =	vperm.xlane v3, v0;
	_ =	sdelay $0x1  }
0x1a6: {  	v3 =	vperm.xlane v3, v2;
	v4 =	vadd.s32 v1, v4;
	_ =	sdelay $0x1  }
0x1a7: {  	v3 =	vadd.s32 v1, v3;
	_ =	sdelay $0x1  }
0x1a8: {  	s28 =	simm.s32 $0x2400  }
0x1a9: {  	[tilespmem:s28], [sflag:$0x1] =	stream.indirect_vreg.gather [hbm4b:s1+s3], $0x80, v4, vm0, $0xb8;
	[tilespmem:$0x10400] =	vst v63  }
0x1aa: {  	s31 =	simm.s32 $0x2C00  }
0x1ab: {  	[tilespmem:s31], [sflag:$0x1] =	stream.indirect_vreg.gather [hbm4b:s1+s3], $0x80, v3, vm0, $0xb8;
	[tilespmem:$0x10400] =	vst v63  }
0x1ac: {  	v3 =	vld [tilespmem:$0x230];
	_ =	sdelay $0x4  }
0x1ad: {  	v35 =	vshll.u32 v3, $0x1  }
0x1ae: {  	v3 =	vand.u32 $0x7, v3;
	v4 =	vand.u32 $0xFFFFFFF0, v35  }
0x1af: {  	v3 =	vor.u32 v3, v4  }
0x1b0: {  	v4 =	vperm.xlane v3, v0;
	_ =	sdelay $0x1  }
0x1b1: {  	v3 =	vperm.xlane v3, v2;
	v4 =	vadd.s32 v1, v4;
	_ =	sdelay $0x1  }
0x1b2: {  	v3 =	vadd.s32 v1, v3;
	_ =	sdelay $0x1  }
0x1b3: {  	s28 =	simm.s32 $0x3400  }
0x1b4: {  	[tilespmem:s28], [sflag:$0x1] =	stream.indirect_vreg.gather [hbm4b:s1+s3], $0x80, v4, vm0, $0xb8;
	[tilespmem:$0x10400] =	vst v63  }
0x1b5: {  	s31 =	simm.s32 $0x3C00  }
0x1b6: {  	[tilespmem:s31], [sflag:$0x1] =	stream.indirect_vreg.gather [hbm4b:s1+s3], $0x80, v3, vm0, $0xb8;
	[tilespmem:$0x10400] =	vst v63  }
0x1b7: {  	v3 =	vld [tilespmem:$0x240];
	_ =	sdelay $0x4  }
0x1b8: {  	v36 =	vshll.u32 v3, $0x1  }
0x1b9: {  	v3 =	vand.u32 $0x7, v3;
	v4 =	vand.u32 $0xFFFFFFF0, v36  }
0x1ba: {  	v3 =	vor.u32 v3, v4  }
0x1bb: {  	v4 =	vperm.xlane v3, v0;
	_ =	sdelay $0x1  }
0x1bc: {  	v3 =	vperm.xlane v3, v2;
	v4 =	vadd.s32 v1, v4;
	_ =	sdelay $0x1  }
0x1bd: {  	v3 =	vadd.s32 v1, v3;
	_ =	sdelay $0x1  }
0x1be: {  	s28 =	simm.s32 $0x4400  }
0x1bf: {  	[tilespmem:s28], [sflag:$0x1] =	stream.indirect_vreg.gather [hbm4b:s1+s3], $0x80, v4, vm0, $0xb8;
	[tilespmem:$0x10400] =	vst v63  }
0x1c0: {  	s31 =	simm.s32 $0x4C00  }
0x1c1: {  	[tilespmem:s31], [sflag:$0x1] =	stream.indirect_vreg.gather [hbm4b:s1+s3], $0x80, v3, vm0, $0xb8;
	[tilespmem:$0x10400] =	vst v63  }
0x1c2: {  	v3 =	vld [tilespmem:$0x250];
	_ =	sdelay $0x4  }
0x1c3: {  	v37 =	vshll.u32 v3, $0x1  }
0x1c4: {  	v3 =	vand.u32 $0x7, v3;
	v4 =	vand.u32 $0xFFFFFFF0, v37  }
0x1c5: {  	v3 =	vor.u32 v3, v4  }
0x1c6: {  	v4 =	vperm.xlane v3, v0;
	_ =	sdelay $0x1  }
0x1c7: {  	v3 =	vperm.xlane v3, v2;
	v4 =	vadd.s32 v1, v4;
	_ =	sdelay $0x1  }
0x1c8: {  	v3 =	vadd.s32 v1, v3;
	_ =	sdelay $0x2  }
0x1c9: {  	[tilespmem:s11], [sflag:$0x1] =	stream.indirect_vreg.gather [hbm4b:s1+s3], $0x80, v4, vm0, $0xb8;
	[tilespmem:$0x10400] =	vst v63  }
0x1ca: {  	_ = 	snop  }
0x1cb: {  	[tilespmem:s16], [sflag:$0x1] =	stream.indirect_vreg.gather [hbm4b:s1+s3], $0x80, v3, vm0, $0xb8;
	[tilespmem:$0x10400] =	vst v63  }
0x1cc: {  	v3 =	vld [tilespmem:$0x260];
	_ =	sdelay $0x4  }
0x1cd: {  	v38 =	vshll.u32 v3, $0x1  }
0x1ce: {  	v3 =	vand.u32 $0x7, v3;
	v4 =	vand.u32 $0xFFFFFFF0, v38  }
0x1cf: {  	v3 =	vor.u32 v3, v4  }
0x1d0: {  	v4 =	vperm.xlane v3, v0;
	_ =	sdelay $0x1  }
0x1d1: {  	v3 =	vperm.xlane v3, v2;
	v4 =	vadd.s32 v1, v4;
	_ =	sdelay $0x1  }
0x1d2: {  	v3 =	vadd.s32 v1, v3;
	_ =	sdelay $0x2  }
0x1d3: {  	[tilespmem:s17], [sflag:$0x1] =	stream.indirect_vreg.gather [hbm4b:s1+s3], $0x80, v4, vm0, $0xb8;
	[tilespmem:$0x10400] =	vst v63  }
0x1d4: {  	s17 =	simm.s32 $0x6C00  }
0x1d5: {  	[tilespmem:s17], [sflag:$0x1] =	stream.indirect_vreg.gather [hbm4b:s1+s3], $0x80, v3, vm0, $0xb8;
	[tilespmem:$0x10400] =	vst v63  }
0x1d6: {  	v3 =	vld [tilespmem:$0x270];
	_ =	sdelay $0x4  }
0x1d7: {  	v39 =	vshll.u32 v3, $0x1  }
0x1d8: {  	v3 =	vand.u32 $0x7, v3;
	v4 =	vand.u32 $0xFFFFFFF0, v39  }
0x1d9: {  	v3 =	vor.u32 v3, v4  }
0x1da: {  	v4 =	vperm.xlane v3, v0;
	_ =	sdelay $0x1  }
0x1db: {  	v3 =	vperm.xlane v3, v2;
	v4 =	vadd.s32 v1, v4;
	_ =	sdelay $0x1  }
0x1dc: {  	v3 =	vadd.s32 v1, v3;
	_ =	sdelay $0x1  }
0x1dd: {  	s14 =	simm.s32 $0x7400  }
0x1de: {  	[tilespmem:s14], [sflag:$0x1] =	stream.indirect_vreg.gather [hbm4b:s1+s3], $0x80, v4, vm0, $0xb8;
	[tilespmem:$0x10400] =	vst v63  }
0x1df: {  	s25 =	simm.s32 $0x7C00  }
0x1e0: {  	[tilespmem:s25], [sflag:$0x1] =	stream.indirect_vreg.gather [hbm4b:s1+s3], $0x80, v3, vm0, $0xb8;
	[tilespmem:$0x10400] =	vst v63  }
0x1e1: {  	s17 =	rddreg [dreg:$0x8]  }
0x1e2: {  	[hbm4b:s17+s3] =	stream.linear.scatter [tilespmem:s23], [sflag:$0x3], $0x8000, $0x38;
	[tilespmem:$0x10400] =	vst v63  }
0x1e3: {  	_ =	swait.ge [sflag:s5], $0x8000  }
0x1e4: {  	[sflag:s5] =	ssyncset.done $0x0  }
0x1e5: {  	[sflag:s5] =	ssyncadd.s32 $0xFFFF8000  }
0x1e6: {  	_ =	swait.ge [sflag:s22], $0x8000  }
0x1e7: {  	[sflag:s22] =	ssyncset.done $0x0  }
0x1e8: {  	[sflag:s22] =	ssyncadd.s32 $0xFFFF8000  }
0x1e9: {  	v3 =	vld [tilespmem:$0x280];
	_ =	sdelay $0x4  }
0x1ea: {  	v40 =	vshll.u32 v3, $0x1  }
0x1eb: {  	v3 =	vand.u32 $0x7, v3;
	v4 =	vand.u32 $0xFFFFFFF0, v40  }
0x1ec: {  	v3 =	vor.u32 v3, v4  }
0x1ed: {  	v4 =	vperm.xlane v3, v0;
	_ =	sdelay $0x1  }
0x1ee: {  	v3 =	vperm.xlane v3, v2;
	v4 =	vadd.s32 v1, v4;
	_ =	sdelay $0x1  }
0x1ef: {  	v3 =	vadd.s32 v1, v3;
	_ =	sdelay $0x2  }
0x1f0: {  	[tilespmem:s23], [sflag:$0x2] =	stream.indirect_vreg.gather [hbm4b:s1+s3], $0x80, v4, vm0, $0xb8;
	[tilespmem:$0x10400] =	vst v63  }
0x1f1: {  	s24 =	simm.s32 $0x8C00  }
0x1f2: {  	[tilespmem:s24], [sflag:$0x2] =	stream.indirect_vreg.gather [hbm4b:s1+s3], $0x80, v3, vm0, $0xb8;
	[tilespmem:$0x10400] =	vst v63  }
0x1f3: {  	v3 =	vld [tilespmem:$0x290];
	_ =	sdelay $0x4  }
0x1f4: {  	v41 =	vshll.u32 v3, $0x1  }
0x1f5: {  	v3 =	vand.u32 $0x7, v3;
	v4 =	vand.u32 $0xFFFFFFF0, v41  }
0x1f6: {  	v3 =	vor.u32 v3, v4  }
0x1f7: {  	v4 =	vperm.xlane v3, v0;
	_ =	sdelay $0x1  }
0x1f8: {  	v3 =	vperm.xlane v3, v2;
	v4 =	vadd.s32 v1, v4;
	_ =	sdelay $0x1  }
0x1f9: {  	v3 =	vadd.s32 v1, v3;
	_ =	sdelay $0x1  }
0x1fa: {  	s30 =	simm.s32 $0x9400  }
0x1fb: {  	[tilespmem:s30], [sflag:$0x2] =	stream.indirect_vreg.gather [hbm4b:s1+s3], $0x80, v4, vm0, $0xb8;
	[tilespmem:$0x10400] =	vst v63  }
0x1fc: {  	_ = 	snop  }
0x1fd: {  	[tilespmem:s10], [sflag:$0x2] =	stream.indirect_vreg.gather [hbm4b:s1+s3], $0x80, v3, vm0, $0xb8;
	[tilespmem:$0x10400] =	vst v63  }
0x1fe: {  	v3 =	vld [tilespmem:$0x2A0];
	_ =	sdelay $0x4  }
0x1ff: {  	v42 =	vshll.u32 v3, $0x1  }
0x200: {  	v3 =	vand.u32 $0x7, v3;
	v4 =	vand.u32 $0xFFFFFFF0, v42  }
0x201: {  	v3 =	vor.u32 v3, v4  }
0x202: {  	v4 =	vperm.xlane v3, v0;
	_ =	sdelay $0x1  }
0x203: {  	v3 =	vperm.xlane v3, v2;
	v4 =	vadd.s32 v1, v4;
	_ =	sdelay $0x1  }
0x204: {  	v3 =	vadd.s32 v1, v3;
	_ =	sdelay $0x1  }
0x205: {  	s19 =	simm.s32 $0xA400  }
0x206: {  	[tilespmem:s19], [sflag:$0x2] =	stream.indirect_vreg.gather [hbm4b:s1+s3], $0x80, v4, vm0, $0xb8;
	[tilespmem:$0x10400] =	vst v63  }
0x207: {  	_ = 	snop  }
0x208: {  	[tilespmem:s12], [sflag:$0x2] =	stream.indirect_vreg.gather [hbm4b:s1+s3], $0x80, v3, vm0, $0xb8;
	[tilespmem:$0x10400] =	vst v63  }
0x209: {  	v3 =	vld [tilespmem:$0x2B0];
	_ =	sdelay $0x4  }
0x20a: {  	v43 =	vshll.u32 v3, $0x1  }
0x20b: {  	v3 =	vand.u32 $0x7, v3;
	v4 =	vand.u32 $0xFFFFFFF0, v43  }
0x20c: {  	v3 =	vor.u32 v3, v4  }
0x20d: {  	v4 =	vperm.xlane v3, v0;
	_ =	sdelay $0x1  }
0x20e: {  	v3 =	vperm.xlane v3, v2;
	v4 =	vadd.s32 v1, v4;
	_ =	sdelay $0x1  }
0x20f: {  	v3 =	vadd.s32 v1, v3;
	_ =	sdelay $0x1  }
0x210: {  	s20 =	simm.s32 $0xB400  }
0x211: {  	[tilespmem:s20], [sflag:$0x2] =	stream.indirect_vreg.gather [hbm4b:s1+s3], $0x80, v4, vm0, $0xb8;
	[tilespmem:$0x10400] =	vst v63  }
0x212: {  	_ = 	snop  }
0x213: {  	[tilespmem:s15], [sflag:$0x2] =	stream.indirect_vreg.gather [hbm4b:s1+s3], $0x80, v3, vm0, $0xb8;
	[tilespmem:$0x10400] =	vst v63  }
0x214: {  	v3 =	vld [tilespmem:$0x2C0];
	_ =	sdelay $0x4  }
0x215: {  	v44 =	vshll.u32 v3, $0x1  }
0x216: {  	v3 =	vand.u32 $0x7, v3;
	v4 =	vand.u32 $0xFFFFFFF0, v44  }
0x217: {  	v3 =	vor.u32 v3, v4  }
0x218: {  	v4 =	vperm.xlane v3, v0;
	_ =	sdelay $0x1  }
0x219: {  	v3 =	vperm.xlane v3, v2;
	v4 =	vadd.s32 v1, v4;
	_ =	sdelay $0x1  }
0x21a: {  	v3 =	vadd.s32 v1, v3;
	_ =	sdelay $0x2  }
0x21b: {  	[tilespmem:s0], [sflag:$0x2] =	stream.indirect_vreg.gather [hbm4b:s1+s3], $0x80, v4, vm0, $0xb8;
	[tilespmem:$0x10400] =	vst v63  }
0x21c: {  	s18 =	simm.s32 $0xCC00  }
0x21d: {  	[tilespmem:s18], [sflag:$0x2] =	stream.indirect_vreg.gather [hbm4b:s1+s3], $0x80, v3, vm0, $0xb8;
	[tilespmem:$0x10400] =	vst v63  }
0x21e: {  	v3 =	vld [tilespmem:$0x2D0];
	_ =	sdelay $0x4  }
0x21f: {  	v45 =	vshll.u32 v3, $0x1  }
0x220: {  	v3 =	vand.u32 $0x7, v3;
	v4 =	vand.u32 $0xFFFFFFF0, v45  }
0x221: {  	v3 =	vor.u32 v3, v4  }
0x222: {  	v4 =	vperm.xlane v3, v0;
	_ =	sdelay $0x1  }
0x223: {  	v3 =	vperm.xlane v3, v2;
	v4 =	vadd.s32 v1, v4;
	_ =	sdelay $0x1  }
0x224: {  	v3 =	vadd.s32 v1, v3;
	_ =	sdelay $0x2  }
0x225: {  	[tilespmem:s2], [sflag:$0x2] =	stream.indirect_vreg.gather [hbm4b:s1+s3], $0x80, v4, vm0, $0xb8;
	[tilespmem:$0x10400] =	vst v63  }
0x226: {  	_ = 	snop  }
0x227: {  	[tilespmem:s7], [sflag:$0x2] =	stream.indirect_vreg.gather [hbm4b:s1+s3], $0x80, v3, vm0, $0xb8;
	[tilespmem:$0x10400] =	vst v63  }
0x228: {  	v3 =	vld [tilespmem:$0x2E0];
	_ =	sdelay $0x4  }
0x229: {  	v46 =	vshll.u32 v3, $0x1  }
0x22a: {  	v3 =	vand.u32 $0x7, v3;
	v4 =	vand.u32 $0xFFFFFFF0, v46  }
0x22b: {  	v3 =	vor.u32 v3, v4  }
0x22c: {  	v4 =	vperm.xlane v3, v0;
	_ =	sdelay $0x1  }
0x22d: {  	v3 =	vperm.xlane v3, v2;
	v4 =	vadd.s32 v1, v4;
	_ =	sdelay $0x1  }
0x22e: {  	v3 =	vadd.s32 v1, v3;
	_ =	sdelay $0x2  }
0x22f: {  	[tilespmem:s6], [sflag:$0x2] =	stream.indirect_vreg.gather [hbm4b:s1+s3], $0x80, v4, vm0, $0xb8;
	[tilespmem:$0x10400] =	vst v63  }
0x230: {  	_ = 	snop  }
0x231: {  	[tilespmem:s8], [sflag:$0x2] =	stream.indirect_vreg.gather [hbm4b:s1+s3], $0x80, v3, vm0, $0xb8;
	[tilespmem:$0x10400] =	vst v63  }
0x232: {  	v3 =	vld [tilespmem:$0x2F0];
	_ =	sdelay $0x4  }
0x233: {  	v47 =	vshll.u32 v3, $0x1  }
0x234: {  	v3 =	vand.u32 $0x7, v3;
	v4 =	vand.u32 $0xFFFFFFF0, v47  }
0x235: {  	v3 =	vor.u32 v3, v4  }
0x236: {  	v4 =	vperm.xlane v3, v0;
	_ =	sdelay $0x1  }
0x237: {  	v3 =	vperm.xlane v3, v2;
	v4 =	vadd.s32 v1, v4;
	_ =	sdelay $0x1  }
0x238: {  	v3 =	vadd.s32 v1, v3;
	_ =	sdelay $0x2  }
0x239: {  	[tilespmem:s9], [sflag:$0x2] =	stream.indirect_vreg.gather [hbm4b:s1+s3], $0x80, v4, vm0, $0xb8;
	[tilespmem:$0x10400] =	vst v63  }
0x23a: {  	s21 =	simm.s32 $0xFC00  }
0x23b: {  	[tilespmem:s21], [sflag:$0x2] =	stream.indirect_vreg.gather [hbm4b:s1+s3], $0x80, v3, vm0, $0xb8;
	[tilespmem:$0x10400] =	vst v63  }
0x23c: {  	s30 =	rddreg [dreg:$0x9]  }
0x23d: {  	[hbm4b:s30+s3] =	stream.linear.scatter [tilespmem:s29], [sflag:$0x3], $0x8000, $0x38;
	[tilespmem:$0x10400] =	vst v63  }
0x23e: {  	_ =	swait.ge [sflag:s5], $0x8000  }
0x23f: {  	[sflag:s5] =	ssyncset.done $0x0  }
0x240: {  	[sflag:s5] =	ssyncadd.s32 $0xFFFF8000  }
0x241: {  	_ =	swait.ge [sflag:s13], $0x8000  }
0x242: {  	[sflag:s13] =	ssyncset.done $0x0  }
0x243: {  	[sflag:s13] =	ssyncadd.s32 $0xFFFF8000  }
0x244: {  	v3 =	vld [tilespmem:$0x300];
	_ =	sdelay $0x4  }
0x245: {  	v48 =	vshll.u32 v3, $0x1  }
0x246: {  	v3 =	vand.u32 $0x7, v3;
	v4 =	vand.u32 $0xFFFFFFF0, v48  }
0x247: {  	v3 =	vor.u32 v3, v4  }
0x248: {  	v4 =	vperm.xlane v3, v0;
	_ =	sdelay $0x1  }
0x249: {  	v3 =	vperm.xlane v3, v2;
	v4 =	vadd.s32 v1, v4;
	_ =	sdelay $0x1  }
0x24a: {  	v3 =	vadd.s32 v1, v3;
	_ =	sdelay $0x2  }
0x24b: {  	[tilespmem:s29], [sflag:$0x1] =	stream.indirect_vreg.gather [hbm4b:s1+s3], $0x80, v4, vm0, $0xb8;
	[tilespmem:$0x10400] =	vst v63  }
0x24c: {  	s21 =	simm.s32 $0xC00  }
0x24d: {  	[tilespmem:s21], [sflag:$0x1] =	stream.indirect_vreg.gather [hbm4b:s1+s3], $0x80, v3, vm0, $0xb8;
	[tilespmem:$0x10400] =	vst v63  }
0x24e: {  	v3 =	vld [tilespmem:$0x310];
	_ =	sdelay $0x4  }
0x24f: {  	v49 =	vshll.u32 v3, $0x1  }
0x250: {  	v3 =	vand.u32 $0x7, v3;
	v4 =	vand.u32 $0xFFFFFFF0, v49  }
0x251: {  	v3 =	vor.u32 v3, v4  }
0x252: {  	v4 =	vperm.xlane v3, v0;
	_ =	sdelay $0x1  }
0x253: {  	v3 =	vperm.xlane v3, v2;
	v4 =	vadd.s32 v1, v4;
	_ =	sdelay $0x1  }
0x254: {  	v3 =	vadd.s32 v1, v3;
	_ =	sdelay $0x1  }
0x255: {  	s26 =	simm.s32 $0x1400  }
0x256: {  	[tilespmem:s26], [sflag:$0x1] =	stream.indirect_vreg.gather [hbm4b:s1+s3], $0x80, v4, vm0, $0xb8;
	[tilespmem:$0x10400] =	vst v63  }
0x257: {  	s30 =	simm.s32 $0x1C00  }
0x258: {  	[tilespmem:s30], [sflag:$0x1] =	stream.indirect_vreg.gather [hbm4b:s1+s3], $0x80, v3, vm0, $0xb8;
	[tilespmem:$0x10400] =	vst v63  }
0x259: {  	v3 =	vld [tilespmem:$0x320];
	_ =	sdelay $0x4  }
0x25a: {  	v50 =	vshll.u32 v3, $0x1  }
0x25b: {  	v3 =	vand.u32 $0x7, v3;
	v4 =	vand.u32 $0xFFFFFFF0, v50  }
0x25c: {  	v3 =	vor.u32 v3, v4  }
0x25d: {  	v4 =	vperm.xlane v3, v0;
	_ =	sdelay $0x1  }
0x25e: {  	v3 =	vperm.xlane v3, v2;
	v4 =	vadd.s32 v1, v4;
	_ =	sdelay $0x1  }
0x25f: {  	v3 =	vadd.s32 v1, v3;
	_ =	sdelay $0x1  }
0x260: {  	s21 =	simm.s32 $0x2400  }
0x261: {  	[tilespmem:s21], [sflag:$0x1] =	stream.indirect_vreg.gather [hbm4b:s1+s3], $0x80, v4, vm0, $0xb8;
	[tilespmem:$0x10400] =	vst v63  }
0x262: {  	s26 =	simm.s32 $0x2C00  }
0x263: {  	[tilespmem:s26], [sflag:$0x1] =	stream.indirect_vreg.gather [hbm4b:s1+s3], $0x80, v3, vm0, $0xb8;
	[tilespmem:$0x10400] =	vst v63  }
0x264: {  	v3 =	vld [tilespmem:$0x330];
	_ =	sdelay $0x4  }
0x265: {  	v51 =	vshll.u32 v3, $0x1  }
0x266: {  	v3 =	vand.u32 $0x7, v3;
	v4 =	vand.u32 $0xFFFFFFF0, v51  }
0x267: {  	v3 =	vor.u32 v3, v4  }
0x268: {  	v4 =	vperm.xlane v3, v0;
	_ =	sdelay $0x1  }
0x269: {  	v3 =	vperm.xlane v3, v2;
	v4 =	vadd.s32 v1, v4;
	_ =	sdelay $0x1  }
0x26a: {  	v3 =	vadd.s32 v1, v3;
	_ =	sdelay $0x1  }
0x26b: {  	s30 =	simm.s32 $0x3400  }
0x26c: {  	[tilespmem:s30], [sflag:$0x1] =	stream.indirect_vreg.gather [hbm4b:s1+s3], $0x80, v4, vm0, $0xb8;
	[tilespmem:$0x10400] =	vst v63  }
0x26d: {  	s21 =	simm.s32 $0x3C00  }
0x26e: {  	[tilespmem:s21], [sflag:$0x1] =	stream.indirect_vreg.gather [hbm4b:s1+s3], $0x80, v3, vm0, $0xb8;
	[tilespmem:$0x10400] =	vst v63  }
0x26f: {  	v3 =	vld [tilespmem:$0x340];
	_ =	sdelay $0x4  }
0x270: {  	v52 =	vshll.u32 v3, $0x1  }
0x271: {  	v3 =	vand.u32 $0x7, v3;
	v4 =	vand.u32 $0xFFFFFFF0, v52  }
0x272: {  	v3 =	vor.u32 v3, v4  }
0x273: {  	v4 =	vperm.xlane v3, v0;
	_ =	sdelay $0x1  }
0x274: {  	v3 =	vperm.xlane v3, v2;
	v4 =	vadd.s32 v1, v4;
	_ =	sdelay $0x1  }
0x275: {  	v3 =	vadd.s32 v1, v3;
	_ =	sdelay $0x1  }
0x276: {  	s26 =	simm.s32 $0x4400  }
0x277: {  	[tilespmem:s26], [sflag:$0x1] =	stream.indirect_vreg.gather [hbm4b:s1+s3], $0x80, v4, vm0, $0xb8;
	[tilespmem:$0x10400] =	vst v63  }
0x278: {  	s30 =	simm.s32 $0x4C00  }
0x279: {  	[tilespmem:s30], [sflag:$0x1] =	stream.indirect_vreg.gather [hbm4b:s1+s3], $0x80, v3, vm0, $0xb8;
	[tilespmem:$0x10400] =	vst v63  }
0x27a: {  	v3 =	vld [tilespmem:$0x350];
	_ =	sdelay $0x4  }
0x27b: {  	v53 =	vshll.u32 v3, $0x1  }
0x27c: {  	v3 =	vand.u32 $0x7, v3;
	v4 =	vand.u32 $0xFFFFFFF0, v53  }
0x27d: {  	v3 =	vor.u32 v3, v4  }
0x27e: {  	v4 =	vperm.xlane v3, v0;
	_ =	sdelay $0x1  }
0x27f: {  	v3 =	vperm.xlane v3, v2;
	v4 =	vadd.s32 v1, v4;
	_ =	sdelay $0x1  }
0x280: {  	v3 =	vadd.s32 v1, v3;
	_ =	sdelay $0x1  }
0x281: {  	s28 =	simm.s32 $0x5400  }
0x282: {  	[tilespmem:s28], [sflag:$0x1] =	stream.indirect_vreg.gather [hbm4b:s1+s3], $0x80, v4, vm0, $0xb8;
	[tilespmem:$0x10400] =	vst v63  }
0x283: {  	s16 =	simm.s32 $0x5C00  }
0x284: {  	[tilespmem:s16], [sflag:$0x1] =	stream.indirect_vreg.gather [hbm4b:s1+s3], $0x80, v3, vm0, $0xb8;
	[tilespmem:$0x10400] =	vst v63  }
0x285: {  	v3 =	vld [tilespmem:$0x360];
	_ =	sdelay $0x4  }
0x286: {  	v54 =	vshll.u32 v3, $0x1  }
0x287: {  	v3 =	vand.u32 $0x7, v3;
	v4 =	vand.u32 $0xFFFFFFF0, v54  }
0x288: {  	v3 =	vor.u32 v3, v4  }
0x289: {  	v4 =	vperm.xlane v3, v0;
	_ =	sdelay $0x1  }
0x28a: {  	v3 =	vperm.xlane v3, v2;
	v4 =	vadd.s32 v1, v4;
	_ =	sdelay $0x1  }
0x28b: {  	v3 =	vadd.s32 v1, v3;
	_ =	sdelay $0x1  }
0x28c: {  	s31 =	simm.s32 $0x6400  }
0x28d: {  	[tilespmem:s31], [sflag:$0x1] =	stream.indirect_vreg.gather [hbm4b:s1+s3], $0x80, v4, vm0, $0xb8;
	[tilespmem:$0x10400] =	vst v63  }
0x28e: {  	s21 =	simm.s32 $0x6C00  }
0x28f: {  	[tilespmem:s21], [sflag:$0x1] =	stream.indirect_vreg.gather [hbm4b:s1+s3], $0x80, v3, vm0, $0xb8;
	[tilespmem:$0x10400] =	vst v63  }
0x290: {  	v3 =	vld [tilespmem:$0x370];
	_ =	sdelay $0x4  }
0x291: {  	v55 =	vshll.u32 v3, $0x1  }
0x292: {  	v3 =	vand.u32 $0x7, v3;
	v4 =	vand.u32 $0xFFFFFFF0, v55  }
0x293: {  	v3 =	vor.u32 v3, v4  }
0x294: {  	v4 =	vperm.xlane v3, v0;
	_ =	sdelay $0x1  }
0x295: {  	v3 =	vperm.xlane v3, v2;
	v4 =	vadd.s32 v1, v4;
	_ =	sdelay $0x1  }
0x296: {  	v3 =	vadd.s32 v1, v3;
	_ =	sdelay $0x1  }
0x297: {  	s26 =	simm.s32 $0x7400  }
0x298: {  	[tilespmem:s26], [sflag:$0x1] =	stream.indirect_vreg.gather [hbm4b:s1+s3], $0x80, v4, vm0, $0xb8;
	[tilespmem:$0x10400] =	vst v63  }
0x299: {  	s25 =	simm.s32 $0x7C00  }
0x29a: {  	[tilespmem:s25], [sflag:$0x1] =	stream.indirect_vreg.gather [hbm4b:s1+s3], $0x80, v3, vm0, $0xb8;
	[tilespmem:$0x10400] =	vst v63  }
0x29b: {  	s28 =	rddreg [dreg:$0xa]  }
0x29c: {  	[hbm4b:s28+s3] =	stream.linear.scatter [tilespmem:s23], [sflag:$0x3], $0x8000, $0x38;
	[tilespmem:$0x10400] =	vst v63  }
0x29d: {  	_ =	swait.ge [sflag:s5], $0x8000  }
0x29e: {  	[sflag:s5] =	ssyncset.done $0x0  }
0x29f: {  	[sflag:s5] =	ssyncadd.s32 $0xFFFF8000  }
0x2a0: {  	_ =	swait.ge [sflag:s22], $0x8000  }
0x2a1: {  	[sflag:s22] =	ssyncset.done $0x0  }
0x2a2: {  	[sflag:s22] =	ssyncadd.s32 $0xFFFF8000  }
0x2a3: {  	v3 =	vld [tilespmem:$0x380];
	_ =	sdelay $0x4  }
0x2a4: {  	v56 =	vshll.u32 v3, $0x1  }
0x2a5: {  	v3 =	vand.u32 $0x7, v3;
	v4 =	vand.u32 $0xFFFFFFF0, v56  }
0x2a6: {  	v3 =	vor.u32 v3, v4  }
0x2a7: {  	v4 =	vperm.xlane v3, v0;
	_ =	sdelay $0x1  }
0x2a8: {  	v3 =	vperm.xlane v3, v2;
	v4 =	vadd.s32 v1, v4;
	_ =	sdelay $0x1  }
0x2a9: {  	v3 =	vadd.s32 v1, v3;
	_ =	sdelay $0x2  }
0x2aa: {  	[tilespmem:s23], [sflag:$0x2] =	stream.indirect_vreg.gather [hbm4b:s1+s3], $0x80, v4, vm0, $0xb8;
	[tilespmem:$0x10400] =	vst v63  }
0x2ab: {  	s24 =	simm.s32 $0x8C00  }
0x2ac: {  	[tilespmem:s24], [sflag:$0x2] =	stream.indirect_vreg.gather [hbm4b:s1+s3], $0x80, v3, vm0, $0xb8;
	[tilespmem:$0x10400] =	vst v63  }
0x2ad: {  	v3 =	vld [tilespmem:$0x390];
	_ =	sdelay $0x4  }
0x2ae: {  	v57 =	vshll.u32 v3, $0x1  }
0x2af: {  	v3 =	vand.u32 $0x7, v3;
	v4 =	vand.u32 $0xFFFFFFF0, v57  }
0x2b0: {  	v3 =	vor.u32 v3, v4  }
0x2b1: {  	v4 =	vperm.xlane v3, v0;
	_ =	sdelay $0x1  }
0x2b2: {  	v3 =	vperm.xlane v3, v2;
	v4 =	vadd.s32 v1, v4;
	_ =	sdelay $0x1  }
0x2b3: {  	v3 =	vadd.s32 v1, v3;
	_ =	sdelay $0x1  }
0x2b4: {  	s17 =	simm.s32 $0x9400  }
0x2b5: {  	[tilespmem:s17], [sflag:$0x2] =	stream.indirect_vreg.gather [hbm4b:s1+s3], $0x80, v4, vm0, $0xb8;
	[tilespmem:$0x10400] =	vst v63  }
0x2b6: {  	s10 =	simm.s32 $0x9C00  }
0x2b7: {  	[tilespmem:s10], [sflag:$0x2] =	stream.indirect_vreg.gather [hbm4b:s1+s3], $0x80, v3, vm0, $0xb8;
	[tilespmem:$0x10400] =	vst v63  }
0x2b8: {  	v3 =	vld [tilespmem:$0x3A0];
	_ =	sdelay $0x4  }
0x2b9: {  	v58 =	vshll.u32 v3, $0x1  }
0x2ba: {  	v3 =	vand.u32 $0x7, v3;
	v4 =	vand.u32 $0xFFFFFFF0, v58  }
0x2bb: {  	v3 =	vor.u32 v3, v4  }
0x2bc: {  	v4 =	vperm.xlane v3, v0;
	_ =	sdelay $0x1  }
0x2bd: {  	v3 =	vperm.xlane v3, v2;
	v4 =	vadd.s32 v1, v4;
	_ =	sdelay $0x1  }
0x2be: {  	v3 =	vadd.s32 v1, v3;
	_ =	sdelay $0x1  }
0x2bf: {  	s19 =	simm.s32 $0xA400  }
0x2c0: {  	[tilespmem:s19], [sflag:$0x2] =	stream.indirect_vreg.gather [hbm4b:s1+s3], $0x80, v4, vm0, $0xb8;
	[tilespmem:$0x10400] =	vst v63  }
0x2c1: {  	s11 =	simm.s32 $0xAC00  }
0x2c2: {  	[tilespmem:s11], [sflag:$0x2] =	stream.indirect_vreg.gather [hbm4b:s1+s3], $0x80, v3, vm0, $0xb8;
	[tilespmem:$0x10400] =	vst v63  }
0x2c3: {  	v3 =	vld [tilespmem:$0x3B0];
	_ =	sdelay $0x4  }
0x2c4: {  	v59 =	vshll.u32 v3, $0x1  }
0x2c5: {  	v3 =	vand.u32 $0x7, v3;
	v4 =	vand.u32 $0xFFFFFFF0, v59  }
0x2c6: {  	v3 =	vor.u32 v3, v4  }
0x2c7: {  	v4 =	vperm.xlane v3, v0;
	_ =	sdelay $0x1  }
0x2c8: {  	v3 =	vperm.xlane v3, v2;
	v4 =	vadd.s32 v1, v4;
	_ =	sdelay $0x1  }
0x2c9: {  	v3 =	vadd.s32 v1, v3;
	_ =	sdelay $0x1  }
0x2ca: {  	s20 =	simm.s32 $0xB400  }
0x2cb: {  	[tilespmem:s20], [sflag:$0x2] =	stream.indirect_vreg.gather [hbm4b:s1+s3], $0x80, v4, vm0, $0xb8;
	[tilespmem:$0x10400] =	vst v63  }
0x2cc: {  	s12 =	simm.s32 $0xBC00  }
0x2cd: {  	[tilespmem:s12], [sflag:$0x2] =	stream.indirect_vreg.gather [hbm4b:s1+s3], $0x80, v3, vm0, $0xb8;
	[tilespmem:$0x10400] =	vst v63  }
0x2ce: {  	v3 =	vld [tilespmem:$0x3C0];
	_ =	sdelay $0x4  }
0x2cf: {  	v60 =	vshll.u32 v3, $0x1  }
0x2d0: {  	v3 =	vand.u32 $0x7, v3;
	v4 =	vand.u32 $0xFFFFFFF0, v60  }
0x2d1: {  	v3 =	vor.u32 v3, v4  }
0x2d2: {  	v4 =	vperm.xlane v3, v0;
	_ =	sdelay $0x1  }
0x2d3: {  	v3 =	vperm.xlane v3, v2;
	v4 =	vadd.s32 v1, v4;
	_ =	sdelay $0x1  }
0x2d4: {  	v3 =	vadd.s32 v1, v3;
	_ =	sdelay $0x1  }
0x2d5: {  	s0 =	simm.s32 $0xC400  }
0x2d6: {  	[tilespmem:s0], [sflag:$0x2] =	stream.indirect_vreg.gather [hbm4b:s1+s3], $0x80, v4, vm0, $0xb8;
	[tilespmem:$0x10400] =	vst v63  }
0x2d7: {  	s15 =	simm.s32 $0xCC00  }
0x2d8: {  	[tilespmem:s15], [sflag:$0x2] =	stream.indirect_vreg.gather [hbm4b:s1+s3], $0x80, v3, vm0, $0xb8;
	[tilespmem:$0x10400] =	vst v63  }
0x2d9: {  	v3 =	vld [tilespmem:$0x3D0];
	_ =	sdelay $0x4  }
0x2da: {  	v61 =	vshll.u32 v3, $0x1  }
0x2db: {  	v3 =	vand.u32 $0x7, v3;
	v4 =	vand.u32 $0xFFFFFFF0, v61  }
0x2dc: {  	v3 =	vor.u32 v3, v4  }
0x2dd: {  	v4 =	vperm.xlane v3, v0;
	_ =	sdelay $0x1  }
0x2de: {  	v3 =	vperm.xlane v3, v2;
	v4 =	vadd.s32 v1, v4;
	_ =	sdelay $0x1  }
0x2df: {  	v3 =	vadd.s32 v1, v3;
	_ =	sdelay $0x1  }
0x2e0: {  	s2 =	simm.s32 $0xD400  }
0x2e1: {  	[tilespmem:s2], [sflag:$0x2] =	stream.indirect_vreg.gather [hbm4b:s1+s3], $0x80, v4, vm0, $0xb8;
	[tilespmem:$0x10400] =	vst v63  }
0x2e2: {  	s7 =	simm.s32 $0xDC00  }
0x2e3: {  	[tilespmem:s7], [sflag:$0x2] =	stream.indirect_vreg.gather [hbm4b:s1+s3], $0x80, v3, vm0, $0xb8;
	[tilespmem:$0x10400] =	vst v63  }
0x2e4: {  	v3 =	vld [tilespmem:$0x3E0];
	_ =	sdelay $0x4  }
0x2e5: {  	v62 =	vshll.u32 v3, $0x1  }
0x2e6: {  	v3 =	vand.u32 $0x7, v3;
	v4 =	vand.u32 $0xFFFFFFF0, v62  }
0x2e7: {  	v3 =	vor.u32 v3, v4  }
0x2e8: {  	v4 =	vperm.xlane v3, v0;
	_ =	sdelay $0x1  }
0x2e9: {  	v3 =	vperm.xlane v3, v2;
	v4 =	vadd.s32 v1, v4;
	_ =	sdelay $0x1  }
0x2ea: {  	v3 =	vadd.s32 v1, v3;
	_ =	sdelay $0x1  }
0x2eb: {  	s6 =	simm.s32 $0xE400  }
0x2ec: {  	[tilespmem:s6], [sflag:$0x2] =	stream.indirect_vreg.gather [hbm4b:s1+s3], $0x80, v4, vm0, $0xb8;
	[tilespmem:$0x10400] =	vst v63  }
0x2ed: {  	s8 =	simm.s32 $0xEC00  }
0x2ee: {  	[tilespmem:s8], [sflag:$0x2] =	stream.indirect_vreg.gather [hbm4b:s1+s3], $0x80, v3, vm0, $0xb8;
	[tilespmem:$0x10400] =	vst v63  }
0x2ef: {  	v3 =	vld [tilespmem:$0x3F0];
	_ =	sdelay $0x4  }
0x2f0: {  	v63 =	vshll.u32 v3, $0x1  }
0x2f1: {  	v3 =	vand.u32 $0x7, v3;
	v4 =	vand.u32 $0xFFFFFFF0, v63  }
0x2f2: {  	v3 =	vor.u32 v3, v4  }
0x2f3: {  	v4 =	vperm.xlane v3, v0;
	_ =	sdelay $0x1  }
0x2f4: {  	v3 =	vperm.xlane v3, v2;
	v4 =	vadd.s32 v1, v4;
	_ =	sdelay $0x1  }
0x2f5: {  	v3 =	vadd.s32 v1, v3;
	_ =	sdelay $0x1  }
0x2f6: {  	s9 =	simm.s32 $0xF400  }
0x2f7: {  	[tilespmem:s9], [sflag:$0x2] =	stream.indirect_vreg.gather [hbm4b:s1+s3], $0x80, v4, vm0, $0xb8;
	[tilespmem:$0x10400] =	vst v63  }
0x2f8: {  	s18 =	simm.s32 $0xFC00  }
0x2f9: {  	[tilespmem:s18], [sflag:$0x2] =	stream.indirect_vreg.gather [hbm4b:s1+s3], $0x80, v3, vm0, $0xb8;
	[tilespmem:$0x10400] =	vst v63  }
0x2fa: {  	s30 =	rddreg [dreg:$0xb]  }
0x2fb: {  	[hbm4b:s30+s3] =	stream.linear.scatter [tilespmem:s29], [sflag:$0x3], $0x8000, $0x38;
	[tilespmem:$0x10400] =	vst v63  }
0x2fc: {  	_ =	swait.ge [sflag:s5], $0x8000  }
0x2fd: {  	[sflag:s5] =	ssyncset.done $0x0  }
0x2fe: {  	[sflag:s5] =	ssyncadd.s32 $0xFFFF8000  }
0x2ff: {  	_ =	swait.ge [sflag:s13], $0x8000  }
0x300: {  	p0 =	sne.s32 s4, $0x1;
	[sflag:s13] =	ssyncset.done $0x0  }
.Ltmp0:
0x301: {  	s31 =	rddreg [dreg:$0xc];
	[sflag:s13] =	ssyncadd.s32 $0xFFFF8000;
	(pc) =	sbr.rel @p0 .LBB2_1-.Ltmp0, $4  }
0x302: {  	[hbm4b:s31+s3] =	stream.linear.scatter [tilespmem:s23], [sflag:$0x3], $0x8000, $0x38;
	[tilespmem:$0x10400] =	vst v63  }
0x303: {  	_ =	swait.ge [sflag:s5], $0x8000  }
0x304: {  	[sflag:s5] =	ssyncset.done $0x0  }
0x305: {  	s4 =	sadd.s32 $0xFFFFFFFF, s4;
	[sflag:s5] =	ssyncadd.s32 $0xFFFF8000  }
0x306: {  	_ =	sfence.sel $0x180000  }
0x307: {  	[bflag:$0x0] =	sbarrier.arrive $0xFFFF  }
0x308: {  	_ =	strace $0x90000047  }
0x309: {  	s0 =	stileid.u32;
	[bflag:$0x2] =	sbarrier.arrive $0xFFFF  }
0x30a: {  	p0 =	sne.s32 s0, $0x0;
	s0 =	rddreg [dreg:$0x3]  }
0x30b: {  	s0 =	sadd.s32 @!p0 $0x100000, s0  }
0x30c: {  	[sflag:s0] =	ssyncadd.tile.s32 @!p0 $0x1;
	_ =	shalt  }
.Lfunc_end2:
_tile_overlayer_lowered:
.L_overlay_start_2:
0x30d: {  	(tag) =	ssettag $0x2  }
0x30e: {  	s0 =	rddreg [dreg:$0x0];
	s2 =	stileid.u32  }
0x30f: {  	s1 =	rddreg [dreg:$0x1];
	p0 =	sne.s32 s2, $0x0  }
0x310: {  	s3 =	rddreg [dreg:$0x2];
	[bflag:$0x3] =	sbarrier.arrive $0xFFFF;
	s2 =	simm.s32 @!p0 $0x1C03  }
0x311: {  	[timem:s3], [sflag:s2] =	dma.local @!p0 [hbm:s0], s1  }
0x312: {  	s0 =	simm.s32 @!p0 $0x3  }
0x313: {  	_ =	swait.ge @!p0 [sflag:s0], s1  }
0x314: {  	s1 =	ssub.s32 @!p0 $0x0, s1;
	[sflag:s0] =	ssyncset.done @!p0 $0x0  }
0x315: {  	[sflag:s0] =	ssyncadd.s32 @!p0 s1  }
0x316: {  	[bflag:$0x3] =	sbarrier.arrive $0xFFFF  }
0x317: {  	_ =	shalt  }

</sc_bundles>
